<compile_context>
chip_gen: v7x
topology: tpu7x:2x2x1
jax: 0.10.2.dev20260603
libtpu: 0.0.44.dev20260713+nightly
codegen_flags: <defaults>
</compile_context>

<pallas_src>
import functools

import jax
import jax.numpy as jnp
import numpy as np
from jax import lax
from jax.experimental import pallas as pl
from jax.experimental.pallas import tpu as pltpu
from jax.experimental.pallas import tpu_sc as plsc

N_NODES = 10000
F = 128
N_EDGES = 320000
NC, NS = 2, 16
CHUNK = 128
NCHUNK = 80
PER_TILE = CHUNK * NCHUNK
E_PAD = PER_TILE * NC * NS
ACC_ROWS = 10048
ZROWS = ACC_ROWS // NS
OUT_ROWS_MAIN = 632
OUT_ROWS_LAST = N_NODES - (NS - 1) * OUT_ROWS_MAIN

_PAD = E_PAD - N_EDGES
_PAD_EDGES = np.stack([
    np.arange(_PAD, dtype=np.int32) % N_NODES,
    (N_NODES + np.arange(_PAD) % (ACC_ROWS - N_NODES)).astype(np.int32),
])


def _sc_aggregate(x, edge_index, pad_edges):
    mesh = plsc.VectorSubcoreMesh(core_axis_name="c", subcore_axis_name="s")

    @functools.partial(
        pl.kernel,
        out_type=jax.ShapeDtypeStruct((NC, N_NODES, F), jnp.float32),
        mesh=mesh,
        scratch_types=[
            pltpu.VMEM((2, CHUNK), jnp.int32),
            pltpu.VMEM((2, CHUNK), jnp.int32),
            pltpu.VMEM((2, CHUNK), jnp.int32),
            pltpu.VMEM((2, CHUNK), jnp.int32),
            pltpu.VMEM((CHUNK, F), jnp.float32),
            pltpu.VMEM((CHUNK, F), jnp.float32),
            pltpu.VMEM((CHUNK, F), jnp.float32),
            pltpu.VMEM_SHARED((ACC_ROWS, F), jnp.float32),
            pltpu.SemaphoreType.DMA,
            pltpu.SemaphoreType.DMA,
            pltpu.SemaphoreType.DMA,
            pltpu.SemaphoreType.DMA,
            pltpu.SemaphoreType.DMA,
            pltpu.SemaphoreType.DMA,
            pltpu.SemaphoreType.DMA,
            pltpu.SemaphoreType.DMA,
        ],
    )
    def k(x_hbm, ei_hbm, pad_hbm, out_hbm,
          idx_0, idx_1, idx_2, idx_3, rows_0, rows_1, zbuf, acc,
          sem_d0, sem_d1, sem_d2, sem_d3, sem_g0, sem_g1, sem_s0, sem_s1):
        idx_bufs = (idx_0, idx_1, idx_2, idx_3)
        row_bufs = (rows_0, rows_1)
        d_sems = (sem_d0, sem_d1, sem_d2, sem_d3)
        g_sems = (sem_g0, sem_g1)
        s_sems = (sem_s0, sem_s1)
        c = lax.axis_index("c")
        s = lax.axis_index("s")
        base = (c * NS + s) * PER_TILE

        def start_idx(j, b):
            col = base + j * CHUNK

            @pl.when(col < N_EDGES)
            def _():
                pltpu.make_async_copy(ei_hbm.at[:, pl.ds(col, CHUNK)],
                                      idx_bufs[b], d_sems[b]).start()

            @pl.when(col >= N_EDGES)
            def _():
                pltpu.make_async_copy(
                    pad_hbm.at[:, pl.ds(col - N_EDGES, CHUNK)],
                    idx_bufs[b], d_sems[b]).start()

        def wait_idx(j, b):
            pltpu.make_async_copy(ei_hbm.at[:, pl.ds(0, CHUNK)],
                                  idx_bufs[b], d_sems[b]).wait()

        def start_gather(b2, b4):
            pltpu.make_async_copy(x_hbm.at[idx_bufs[b4].at[0]],
                                  row_bufs[b2], g_sems[b2]).start()

        def wait_gather(b2, b4):
            pltpu.make_async_copy(x_hbm.at[idx_bufs[b4].at[0]],
                                  row_bufs[b2], g_sems[b2]).wait()

        def start_scatter(b2, b4):
            pltpu.make_async_copy(row_bufs[b2], acc.at[idx_bufs[b4].at[1]],
                                  s_sems[b2]).start(add=True)

        def wait_scatter(b2, b4):
            pltpu.make_async_copy(row_bufs[b2], acc.at[idx_bufs[b4].at[1]],
                                  s_sems[b2]).wait()

        for j in range(4):
            start_idx(j, j)

        @pl.loop(0, CHUNK)
        def _(i):
            for k16 in range(0, F, 16):
                zbuf[i, pl.ds(k16, 16)] = jnp.zeros((16,), jnp.float32)

        zbase = s * ZROWS
        zcopies = [
            pltpu.make_async_copy(
                zbuf, acc.at[pl.ds(zbase + r * CHUNK, CHUNK)], sem_s0)
            for r in range(ZROWS // CHUNK)
        ]
        zrem = ZROWS % CHUNK
        zcopies.append(pltpu.make_async_copy(
            zbuf.at[pl.ds(0, zrem)],
            acc.at[pl.ds(zbase + ZROWS - zrem, zrem)], sem_s0))
        for cp in zcopies:
            cp.start()

        wait_idx(0, 0)
        start_gather(0, 0)
        wait_idx(1, 1)
        start_gather(1, 1)

        for cp in zcopies:
            cp.wait()

        plsc.subcore_barrier()

        @pl.loop(0, NCHUNK + 4, step=4)
        def _(jj):
            for db in range(4):
                i = jj + db
                b2 = db % 2

                @pl.when(jnp.logical_and(i >= 2, i < NCHUNK))
                def _():
                    wait_scatter(b2, (db - 2) % 4)

                @pl.when(jnp.logical_and(i >= 2, i + 2 < NCHUNK))
                def _():
                    start_idx(i + 2, (db + 2) % 4)

                @pl.when(jnp.logical_and(i >= 2, i < NCHUNK))
                def _():
                    wait_idx(i, db)
                    start_gather(b2, db)

                p = i - 1
                pb2 = (db - 1) % 2
                pb4 = (db - 1) % 4

                @pl.when(jnp.logical_and(p >= 0, p < NCHUNK))
                def _():
                    wait_gather(pb2, pb4)
                    start_scatter(pb2, pb4)

        wait_scatter(0, (NCHUNK - 2) % 4)
        wait_scatter(1, (NCHUNK - 1) % 4)

        plsc.subcore_barrier()

        @pl.when(s < NS - 1)
        def _():
            pltpu.sync_copy(
                acc.at[pl.ds(s * OUT_ROWS_MAIN, OUT_ROWS_MAIN)],
                out_hbm.at[c, pl.ds(s * OUT_ROWS_MAIN, OUT_ROWS_MAIN)])

        @pl.when(s == NS - 1)
        def _():
            pltpu.sync_copy(
                acc.at[pl.ds((NS - 1) * OUT_ROWS_MAIN, OUT_ROWS_LAST)],
                out_hbm.at[c, pl.ds((NS - 1) * OUT_ROWS_MAIN, OUT_ROWS_LAST)])

    return k(x, edge_index, pad_edges)


BLK = 2000


def _tc_body(p_ref, w_ref, b_ref, o_ref):
    ssum = p_ref[0] + p_ref[1]
    o_ref[...] = lax.dot_general(
        ssum, w_ref[...], (((1,), (0,)), ((), ())),
        preferred_element_type=jnp.float32,
        precision=lax.Precision.HIGHEST) + b_ref[...]


def _tc_finish(partial, W, b):
    return pl.pallas_call(
        _tc_body,
        grid=(N_NODES // BLK,),
        in_specs=[
            pl.BlockSpec((NC, BLK, F), lambda i: (0, i, 0)),
            pl.BlockSpec((F, F), lambda i: (0, 0)),
            pl.BlockSpec((1, F), lambda i: (0, 0)),
        ],
        out_specs=pl.BlockSpec((BLK, F), lambda i: (i, 0)),
        out_shape=jax.ShapeDtypeStruct((N_NODES, F), jnp.float32),
    )(partial, W, b.reshape(1, F))


def kernel(x, edge_index, W, b):
    partial = _sc_aggregate(x, edge_index, jnp.asarray(_PAD_EDGES))
    return _tc_finish(partial, W, b)

# --- scband reference (transcript-rebuilt; emitter-appended) ---
"""Pipeline reference for scband-gcnsingle-layer-9818295239342 (READ-ONLY COPY).

The authoritative reference and input builder live on the scoring server;
editing this copy changes nothing except your own understanding.
"""

import jax, jax.numpy as jnp
import numpy as np

N_NODES = 10000
N_EDGES = 320000
F_IN = 128
F_OUT = 128


def setup_inputs(seed: int = 0) -> dict:
    key = jax.random.key(seed)
    k1, k2, k3 = jax.random.split(key, 3)
    x = jax.random.normal(k1, (N_NODES, F_IN), dtype=jnp.float32)
    edge_index = jax.random.randint(k2, (2, N_EDGES), 0, N_NODES, dtype=jnp.int32)
    # GCNConv linear weight (glorot-style scaling); bias_init is zeros_ per module default
    W = jax.random.normal(k3, (F_IN, F_OUT), dtype=jnp.float32) * (1.0 / np.sqrt(F_IN))
    b = jnp.zeros((F_OUT,), dtype=jnp.float32)
    return {"x": x, "edge_index": edge_index, "W": W, "b": b}


def reference(x, edge_index, W, b):
    # GCNConv with normalize=False, add_self_loops=False, edge_weight=None:
    # 1) linear transform, 2) message = h[src], 3) scatter-add at dst, 4) add bias
    h = x @ W
    src = edge_index[0]
    dst = edge_index[1]
    msg = h[src]  # gather over edges
    out = jax.ops.segment_sum(msg, dst, num_segments=N_NODES)  # scatter-add
    out = out + b
    return out

if __name__ == "__main__":
    import jax
    _d = setup_inputs()
    print(jax.jit(kernel)(*tuple(_d.values())))

</pallas_src>

<mosaic_0001>
#map = affine_map<(d0, d1) -> (0, 0)>
#map1 = affine_map<(d0, d1) -> (0, 0, 0)>
module attributes {stable_mosaic.version = 14 : i64} {
  func.func @k(%arg0: i32, %arg1: i32, %arg2: memref<10000x128xf32, #tpu.memory_space<hbm>>, %arg3: memref<2x320000xi32, #tpu.memory_space<hbm>>, %arg4: memref<2x7680xi32, #tpu.memory_space<hbm>>, %arg5: memref<2x10000x128xf32, #tpu.memory_space<hbm>>, %arg6: memref<2x128xi32, #tpu.memory_space<vmem>>, %arg7: memref<2x128xi32, #tpu.memory_space<vmem>>, %arg8: memref<2x128xi32, #tpu.memory_space<vmem>>, %arg9: memref<2x128xi32, #tpu.memory_space<vmem>>, %arg10: memref<128x128xf32, #tpu.memory_space<vmem>>, %arg11: memref<128x128xf32, #tpu.memory_space<vmem>>, %arg12: memref<128x128xf32, #tpu.memory_space<vmem>>, %arg13: memref<10048x128xf32, #tpu.memory_space<vmem_shared>>, %arg14: memref<!tpu.dma_semaphore, #tpu.memory_space<semaphore_mem>>, %arg15: memref<!tpu.dma_semaphore, #tpu.memory_space<semaphore_mem>>, %arg16: memref<!tpu.dma_semaphore, #tpu.memory_space<semaphore_mem>>, %arg17: memref<!tpu.dma_semaphore, #tpu.memory_space<semaphore_mem>>, %arg18: memref<!tpu.dma_semaphore, #tpu.memory_space<semaphore_mem>>, %arg19: memref<!tpu.dma_semaphore, #tpu.memory_space<semaphore_mem>>, %arg20: memref<!tpu.dma_semaphore, #tpu.memory_space<semaphore_mem>>, %arg21: memref<!tpu.dma_semaphore, #tpu.memory_space<semaphore_mem>>) attributes {dimension_semantics = [#tpu.dimension_semantics<core_parallel>, #tpu.dimension_semantics<subcore_parallel>], iteration_bounds = array<i64: 2, 16>, scalar_prefetch = 0 : i64, scratch_operands = 16 : i64, tpu.core_type = #tpu.core_type<sc_vector_subcore>, window_params = [{transform_indices = #map}, {transform_indices = #map}, {transform_indices = #map}, {transform_indices = #map1}]} {
    %mul3A = arith.constant 16 : i32
    %mul3A_0 = arith.muli %arg0, %mul3A : i32
    %add3A = arith.addi %mul3A_0, %arg1 : i32
    %mul3A_1 = arith.constant 10240 : i32
    %mul3A_2 = arith.muli %add3A, %mul3A_1 : i32
    %add3A_3 = arith.constant 0 : i32
    %add3A_4 = arith.addi %mul3A_2, %add3A_3 : i32
    %lt3A = arith.constant 320000 : i32
    %lt3A_5 = arith.cmpi slt, %add3A_4, %lt3A : i32
    %convert_element_type3A = arith.extui %lt3A_5 : i1 to i32
    %cond3A = arith.constant 0 : i32
    %cond3A_6 = arith.cmpi ne, %convert_element_type3A, %cond3A : i32
    scf.if %cond3A_6 {
      %dma_start3A_169 = arith.constant 0 : i32
      %dma_start3A_170 = tpu.memref_slice %arg3[%dma_start3A_169, %add3A_4] : memref<2x320000xi32, #tpu.memory_space<hbm>> -> memref<2x128xi32, #tpu.memory_space<hbm>>
      %dma_start3A_171 = arith.constant 0 : i32
      %dma_start3A_172 = tpu.memref_slice %arg3[%dma_start3A_171, %add3A_4] : memref<2x320000xi32, #tpu.memory_space<hbm>> -> memref<2x128xi32, #tpu.memory_space<hbm>>
      tpu.enqueue_dma source(%dma_start3A_172 : memref<2x128xi32, #tpu.memory_space<hbm>>) target(%arg6 : memref<2x128xi32, #tpu.memory_space<vmem>>) target_semaphore(%arg14 : memref<!tpu.dma_semaphore, #tpu.memory_space<semaphore_mem>>)
    } else {
    }
    %ge3A = arith.constant 320000 : i32
    %ge3A_7 = arith.cmpi sge, %add3A_4, %ge3A : i32
    %convert_element_type3A_8 = arith.extui %ge3A_7 : i1 to i32
    %cond3A_9 = arith.constant 0 : i32
    %cond3A_10 = arith.cmpi ne, %convert_element_type3A_8, %cond3A_9 : i32
    scf.if %cond3A_10 {
      %sub3A_169 = arith.constant 320000 : i32
      %sub3A_170 = arith.subi %add3A_4, %sub3A_169 : i32
      %dma_start3A_171 = arith.constant 0 : i32
      %dma_start3A_172 = tpu.memref_slice %arg4[%dma_start3A_171, %sub3A_170] : memref<2x7680xi32, #tpu.memory_space<hbm>> -> memref<2x128xi32, #tpu.memory_space<hbm>>
      %dma_start3A_173 = arith.constant 0 : i32
      %dma_start3A_174 = tpu.memref_slice %arg4[%dma_start3A_173, %sub3A_170] : memref<2x7680xi32, #tpu.memory_space<hbm>> -> memref<2x128xi32, #tpu.memory_space<hbm>>
      tpu.enqueue_dma source(%dma_start3A_174 : memref<2x128xi32, #tpu.memory_space<hbm>>) target(%arg6 : memref<2x128xi32, #tpu.memory_space<vmem>>) target_semaphore(%arg14 : memref<!tpu.dma_semaphore, #tpu.memory_space<semaphore_mem>>)
    } else {
    }
    %add3A_11 = arith.constant 128 : i32
    %add3A_12 = arith.addi %mul3A_2, %add3A_11 : i32
    %lt3A_13 = arith.constant 320000 : i32
    %lt3A_14 = arith.cmpi slt, %add3A_12, %lt3A_13 : i32
    %convert_element_type3A_15 = arith.extui %lt3A_14 : i1 to i32
    %cond3A_16 = arith.constant 0 : i32
    %cond3A_17 = arith.cmpi ne, %convert_element_type3A_15, %cond3A_16 : i32
    scf.if %cond3A_17 {
      %dma_start3A_169 = arith.constant 0 : i32
      %dma_start3A_170 = tpu.memref_slice %arg3[%dma_start3A_169, %add3A_12] : memref<2x320000xi32, #tpu.memory_space<hbm>> -> memref<2x128xi32, #tpu.memory_space<hbm>>
      %dma_start3A_171 = arith.constant 0 : i32
      %dma_start3A_172 = tpu.memref_slice %arg3[%dma_start3A_171, %add3A_12] : memref<2x320000xi32, #tpu.memory_space<hbm>> -> memref<2x128xi32, #tpu.memory_space<hbm>>
      tpu.enqueue_dma source(%dma_start3A_172 : memref<2x128xi32, #tpu.memory_space<hbm>>) target(%arg7 : memref<2x128xi32, #tpu.memory_space<vmem>>) target_semaphore(%arg15 : memref<!tpu.dma_semaphore, #tpu.memory_space<semaphore_mem>>)
    } else {
    }
    %ge3A_18 = arith.constant 320000 : i32
    %ge3A_19 = arith.cmpi sge, %add3A_12, %ge3A_18 : i32
    %convert_element_type3A_20 = arith.extui %ge3A_19 : i1 to i32
    %cond3A_21 = arith.constant 0 : i32
    %cond3A_22 = arith.cmpi ne, %convert_element_type3A_20, %cond3A_21 : i32
    scf.if %cond3A_22 {
      %sub3A_169 = arith.constant 320000 : i32
      %sub3A_170 = arith.subi %add3A_12, %sub3A_169 : i32
      %dma_start3A_171 = arith.constant 0 : i32
      %dma_start3A_172 = tpu.memref_slice %arg4[%dma_start3A_171, %sub3A_170] : memref<2x7680xi32, #tpu.memory_space<hbm>> -> memref<2x128xi32, #tpu.memory_space<hbm>>
      %dma_start3A_173 = arith.constant 0 : i32
      %dma_start3A_174 = tpu.memref_slice %arg4[%dma_start3A_173, %sub3A_170] : memref<2x7680xi32, #tpu.memory_space<hbm>> -> memref<2x128xi32, #tpu.memory_space<hbm>>
      tpu.enqueue_dma source(%dma_start3A_174 : memref<2x128xi32, #tpu.memory_space<hbm>>) target(%arg7 : memref<2x128xi32, #tpu.memory_space<vmem>>) target_semaphore(%arg15 : memref<!tpu.dma_semaphore, #tpu.memory_space<semaphore_mem>>)
    } else {
    }
    %add3A_23 = arith.constant 256 : i32
    %add3A_24 = arith.addi %mul3A_2, %add3A_23 : i32
    %lt3A_25 = arith.constant 320000 : i32
    %lt3A_26 = arith.cmpi slt, %add3A_24, %lt3A_25 : i32
    %convert_element_type3A_27 = arith.extui %lt3A_26 : i1 to i32
    %cond3A_28 = arith.constant 0 : i32
    %cond3A_29 = arith.cmpi ne, %convert_element_type3A_27, %cond3A_28 : i32
    scf.if %cond3A_29 {
      %dma_start3A_169 = arith.constant 0 : i32
      %dma_start3A_170 = tpu.memref_slice %arg3[%dma_start3A_169, %add3A_24] : memref<2x320000xi32, #tpu.memory_space<hbm>> -> memref<2x128xi32, #tpu.memory_space<hbm>>
      %dma_start3A_171 = arith.constant 0 : i32
      %dma_start3A_172 = tpu.memref_slice %arg3[%dma_start3A_171, %add3A_24] : memref<2x320000xi32, #tpu.memory_space<hbm>> -> memref<2x128xi32, #tpu.memory_space<hbm>>
      tpu.enqueue_dma source(%dma_start3A_172 : memref<2x128xi32, #tpu.memory_space<hbm>>) target(%arg8 : memref<2x128xi32, #tpu.memory_space<vmem>>) target_semaphore(%arg16 : memref<!tpu.dma_semaphore, #tpu.memory_space<semaphore_mem>>)
    } else {
    }
    %ge3A_30 = arith.constant 320000 : i32
    %ge3A_31 = arith.cmpi sge, %add3A_24, %ge3A_30 : i32
    %convert_element_type3A_32 = arith.extui %ge3A_31 : i1 to i32
    %cond3A_33 = arith.constant 0 : i32
    %cond3A_34 = arith.cmpi ne, %convert_element_type3A_32, %cond3A_33 : i32
    scf.if %cond3A_34 {
      %sub3A_169 = arith.constant 320000 : i32
      %sub3A_170 = arith.subi %add3A_24, %sub3A_169 : i32
      %dma_start3A_171 = arith.constant 0 : i32
      %dma_start3A_172 = tpu.memref_slice %arg4[%dma_start3A_171, %sub3A_170] : memref<2x7680xi32, #tpu.memory_space<hbm>> -> memref<2x128xi32, #tpu.memory_space<hbm>>
      %dma_start3A_173 = arith.constant 0 : i32
      %dma_start3A_174 = tpu.memref_slice %arg4[%dma_start3A_173, %sub3A_170] : memref<2x7680xi32, #tpu.memory_space<hbm>> -> memref<2x128xi32, #tpu.memory_space<hbm>>
      tpu.enqueue_dma source(%dma_start3A_174 : memref<2x128xi32, #tpu.memory_space<hbm>>) target(%arg8 : memref<2x128xi32, #tpu.memory_space<vmem>>) target_semaphore(%arg16 : memref<!tpu.dma_semaphore, #tpu.memory_space<semaphore_mem>>)
    } else {
    }
    %add3A_35 = arith.constant 384 : i32
    %add3A_36 = arith.addi %mul3A_2, %add3A_35 : i32
    %lt3A_37 = arith.constant 320000 : i32
    %lt3A_38 = arith.cmpi slt, %add3A_36, %lt3A_37 : i32
    %convert_element_type3A_39 = arith.extui %lt3A_38 : i1 to i32
    %cond3A_40 = arith.constant 0 : i32
    %cond3A_41 = arith.cmpi ne, %convert_element_type3A_39, %cond3A_40 : i32
    scf.if %cond3A_41 {
      %dma_start3A_169 = arith.constant 0 : i32
      %dma_start3A_170 = tpu.memref_slice %arg3[%dma_start3A_169, %add3A_36] : memref<2x320000xi32, #tpu.memory_space<hbm>> -> memref<2x128xi32, #tpu.memory_space<hbm>>
      %dma_start3A_171 = arith.constant 0 : i32
      %dma_start3A_172 = tpu.memref_slice %arg3[%dma_start3A_171, %add3A_36] : memref<2x320000xi32, #tpu.memory_space<hbm>> -> memref<2x128xi32, #tpu.memory_space<hbm>>
      tpu.enqueue_dma source(%dma_start3A_172 : memref<2x128xi32, #tpu.memory_space<hbm>>) target(%arg9 : memref<2x128xi32, #tpu.memory_space<vmem>>) target_semaphore(%arg17 : memref<!tpu.dma_semaphore, #tpu.memory_space<semaphore_mem>>)
    } else {
    }
    %ge3A_42 = arith.constant 320000 : i32
    %ge3A_43 = arith.cmpi sge, %add3A_36, %ge3A_42 : i32
    %convert_element_type3A_44 = arith.extui %ge3A_43 : i1 to i32
    %cond3A_45 = arith.constant 0 : i32
    %cond3A_46 = arith.cmpi ne, %convert_element_type3A_44, %cond3A_45 : i32
    scf.if %cond3A_46 {
      %sub3A_169 = arith.constant 320000 : i32
      %sub3A_170 = arith.subi %add3A_36, %sub3A_169 : i32
      %dma_start3A_171 = arith.constant 0 : i32
      %dma_start3A_172 = tpu.memref_slice %arg4[%dma_start3A_171, %sub3A_170] : memref<2x7680xi32, #tpu.memory_space<hbm>> -> memref<2x128xi32, #tpu.memory_space<hbm>>
      %dma_start3A_173 = arith.constant 0 : i32
      %dma_start3A_174 = tpu.memref_slice %arg4[%dma_start3A_173, %sub3A_170] : memref<2x7680xi32, #tpu.memory_space<hbm>> -> memref<2x128xi32, #tpu.memory_space<hbm>>
      tpu.enqueue_dma source(%dma_start3A_174 : memref<2x128xi32, #tpu.memory_space<hbm>>) target(%arg9 : memref<2x128xi32, #tpu.memory_space<vmem>>) target_semaphore(%arg17 : memref<!tpu.dma_semaphore, #tpu.memory_space<semaphore_mem>>)
    } else {
    }
    %scan3A = arith.constant 0 : i32
    %scan3A_47 = arith.constant 128 : i32
    %scan3A_48 = arith.addi %scan3A, %scan3A_47 : i32
    %scan3A_49 = arith.constant 1 : i32
    scf.for %scan3A_169 = %scan3A to %scan3A_48 step %scan3A_49  : i32 {
      %mul3A_170 = arith.constant 1 : i32
      %mul3A_171 = arith.muli %scan3A_169, %mul3A_170 : i32
      %add3A_172 = arith.constant 0 : i32
      %add3A_173 = arith.addi %add3A_172, %mul3A_171 : i32
      %broadcast_in_dim3A = arith.constant 0.000000e+00 : f32
      %broadcast_in_dim3A_174 = vector.broadcast %broadcast_in_dim3A : f32 to vector<16xf32>
      %swap3A = arith.index_cast %add3A_173 : i32 to index
      %swap3A_175 = arith.constant 0 : index
      %swap3A_176 = tpu.vector_load %arg12[%swap3A, %swap3A_175] {strides = array<i32>} : memref<128x128xf32, #tpu.memory_space<vmem>>, vector<1x16xf32>,
      %swap3A_177 = vector.shape_cast %swap3A_176 : vector<1x16xf32> to vector<16xf32>
      %swap3A_178 = vector.shape_cast %broadcast_in_dim3A_174 : vector<16xf32> to vector<1x16xf32>
      tpu.vector_store %arg12[%swap3A, %swap3A_175], %swap3A_178 {strides = array<i32>} : memref<128x128xf32, #tpu.memory_space<vmem>>, vector<1x16xf32>,
      %broadcast_in_dim3A_179 = arith.constant 0.000000e+00 : f32
      %broadcast_in_dim3A_180 = vector.broadcast %broadcast_in_dim3A_179 : f32 to vector<16xf32>
      %swap3A_181 = arith.index_cast %add3A_173 : i32 to index
      %swap3A_182 = arith.constant 16 : index
      %swap3A_183 = tpu.vector_load %arg12[%swap3A_181, %swap3A_182] {strides = array<i32>} : memref<128x128xf32, #tpu.memory_space<vmem>>, vector<1x16xf32>,
      %swap3A_184 = vector.shape_cast %swap3A_183 : vector<1x16xf32> to vector<16xf32>
      %swap3A_185 = vector.shape_cast %broadcast_in_dim3A_180 : vector<16xf32> to vector<1x16xf32>
      tpu.vector_store %arg12[%swap3A_181, %swap3A_182], %swap3A_185 {strides = array<i32>} : memref<128x128xf32, #tpu.memory_space<vmem>>, vector<1x16xf32>,
      %broadcast_in_dim3A_186 = arith.constant 0.000000e+00 : f32
      %broadcast_in_dim3A_187 = vector.broadcast %broadcast_in_dim3A_186 : f32 to vector<16xf32>
      %swap3A_188 = arith.index_cast %add3A_173 : i32 to index
      %swap3A_189 = arith.constant 32 : index
      %swap3A_190 = tpu.vector_load %arg12[%swap3A_188, %swap3A_189] {strides = array<i32>} : memref<128x128xf32, #tpu.memory_space<vmem>>, vector<1x16xf32>,
      %swap3A_191 = vector.shape_cast %swap3A_190 : vector<1x16xf32> to vector<16xf32>
      %swap3A_192 = vector.shape_cast %broadcast_in_dim3A_187 : vector<16xf32> to vector<1x16xf32>
      tpu.vector_store %arg12[%swap3A_188, %swap3A_189], %swap3A_192 {strides = array<i32>} : memref<128x128xf32, #tpu.memory_space<vmem>>, vector<1x16xf32>,
      %broadcast_in_dim3A_193 = arith.constant 0.000000e+00 : f32
      %broadcast_in_dim3A_194 = vector.broadcast %broadcast_in_dim3A_193 : f32 to vector<16xf32>
      %swap3A_195 = arith.index_cast %add3A_173 : i32 to index
      %swap3A_196 = arith.constant 48 : index
      %swap3A_197 = tpu.vector_load %arg12[%swap3A_195, %swap3A_196] {strides = array<i32>} : memref<128x128xf32, #tpu.memory_space<vmem>>, vector<1x16xf32>,
      %swap3A_198 = vector.shape_cast %swap3A_197 : vector<1x16xf32> to vector<16xf32>
      %swap3A_199 = vector.shape_cast %broadcast_in_dim3A_194 : vector<16xf32> to vector<1x16xf32>
      tpu.vector_store %arg12[%swap3A_195, %swap3A_196], %swap3A_199 {strides = array<i32>} : memref<128x128xf32, #tpu.memory_space<vmem>>, vector<1x16xf32>,
      %broadcast_in_dim3A_200 = arith.constant 0.000000e+00 : f32
      %broadcast_in_dim3A_201 = vector.broadcast %broadcast_in_dim3A_200 : f32 to vector<16xf32>
      %swap3A_202 = arith.index_cast %add3A_173 : i32 to index
      %swap3A_203 = arith.constant 64 : index
      %swap3A_204 = tpu.vector_load %arg12[%swap3A_202, %swap3A_203] {strides = array<i32>} : memref<128x128xf32, #tpu.memory_space<vmem>>, vector<1x16xf32>,
      %swap3A_205 = vector.shape_cast %swap3A_204 : vector<1x16xf32> to vector<16xf32>
      %swap3A_206 = vector.shape_cast %broadcast_in_dim3A_201 : vector<16xf32> to vector<1x16xf32>
      tpu.vector_store %arg12[%swap3A_202, %swap3A_203], %swap3A_206 {strides = array<i32>} : memref<128x128xf32, #tpu.memory_space<vmem>>, vector<1x16xf32>,
      %broadcast_in_dim3A_207 = arith.constant 0.000000e+00 : f32
      %broadcast_in_dim3A_208 = vector.broadcast %broadcast_in_dim3A_207 : f32 to vector<16xf32>
      %swap3A_209 = arith.index_cast %add3A_173 : i32 to index
      %swap3A_210 = arith.constant 80 : index
      %swap3A_211 = tpu.vector_load %arg12[%swap3A_209, %swap3A_210] {strides = array<i32>} : memref<128x128xf32, #tpu.memory_space<vmem>>, vector<1x16xf32>,
      %swap3A_212 = vector.shape_cast %swap3A_211 : vector<1x16xf32> to vector<16xf32>
      %swap3A_213 = vector.shape_cast %broadcast_in_dim3A_208 : vector<16xf32> to vector<1x16xf32>
      tpu.vector_store %arg12[%swap3A_209, %swap3A_210], %swap3A_213 {strides = array<i32>} : memref<128x128xf32, #tpu.memory_space<vmem>>, vector<1x16xf32>,
      %broadcast_in_dim3A_214 = arith.constant 0.000000e+00 : f32
      %broadcast_in_dim3A_215 = vector.broadcast %broadcast_in_dim3A_214 : f32 to vector<16xf32>
      %swap3A_216 = arith.index_cast %add3A_173 : i32 to index
      %swap3A_217 = arith.constant 96 : index
      %swap3A_218 = tpu.vector_load %arg12[%swap3A_216, %swap3A_217] {strides = array<i32>} : memref<128x128xf32, #tpu.memory_space<vmem>>, vector<1x16xf32>,
      %swap3A_219 = vector.shape_cast %swap3A_218 : vector<1x16xf32> to vector<16xf32>
      %swap3A_220 = vector.shape_cast %broadcast_in_dim3A_215 : vector<16xf32> to vector<1x16xf32>
      tpu.vector_store %arg12[%swap3A_216, %swap3A_217], %swap3A_220 {strides = array<i32>} : memref<128x128xf32, #tpu.memory_space<vmem>>, vector<1x16xf32>,
      %broadcast_in_dim3A_221 = arith.constant 0.000000e+00 : f32
      %broadcast_in_dim3A_222 = vector.broadcast %broadcast_in_dim3A_221 : f32 to vector<16xf32>
      %swap3A_223 = arith.index_cast %add3A_173 : i32 to index
      %swap3A_224 = arith.constant 112 : index
      %swap3A_225 = tpu.vector_load %arg12[%swap3A_223, %swap3A_224] {strides = array<i32>} : memref<128x128xf32, #tpu.memory_space<vmem>>, vector<1x16xf32>,
      %swap3A_226 = vector.shape_cast %swap3A_225 : vector<1x16xf32> to vector<16xf32>
      %swap3A_227 = vector.shape_cast %broadcast_in_dim3A_222 : vector<16xf32> to vector<1x16xf32>
      tpu.vector_store %arg12[%swap3A_223, %swap3A_224], %swap3A_227 {strides = array<i32>} : memref<128x128xf32, #tpu.memory_space<vmem>>, vector<1x16xf32>,
    }
    %scan3A_50 = arith.constant 128 : i32
    %mul3A_51 = arith.constant 628 : i32
    %mul3A_52 = arith.muli %arg1, %mul3A_51 : i32
    %add3A_53 = arith.constant 0 : i32
    %add3A_54 = arith.addi %mul3A_52, %add3A_53 : i32
    %add3A_55 = arith.constant 128 : i32
    %add3A_56 = arith.addi %mul3A_52, %add3A_55 : i32
    %add3A_57 = arith.constant 256 : i32
    %add3A_58 = arith.addi %mul3A_52, %add3A_57 : i32
    %add3A_59 = arith.constant 384 : i32
    %add3A_60 = arith.addi %mul3A_52, %add3A_59 : i32
    %add3A_61 = arith.constant 628 : i32
    %add3A_62 = arith.addi %mul3A_52, %add3A_61 : i32
    %sub3A = arith.constant 116 : i32
    %sub3A_63 = arith.subi %add3A_62, %sub3A : i32
    %dma_start3A = arith.constant 0 : i32
    %dma_start3A_64 = tpu.memref_slice %arg13[%add3A_54, %dma_start3A] : memref<10048x128xf32, #tpu.memory_space<vmem_shared>> -> memref<128x128xf32, #tpu.memory_space<vmem_shared>>
    %dma_start3A_65 = arith.constant 0 : i32
    %dma_start3A_66 = tpu.memref_slice %arg13[%add3A_54, %dma_start3A_65] : memref<10048x128xf32, #tpu.memory_space<vmem_shared>> -> memref<128x128xf32, #tpu.memory_space<vmem_shared>>
    tpu.enqueue_dma source(%arg12 : memref<128x128xf32, #tpu.memory_space<vmem>>) target(%dma_start3A_66 : memref<128x128xf32, #tpu.memory_space<vmem_shared>>) target_semaphore(%arg20 : memref<!tpu.dma_semaphore, #tpu.memory_space<semaphore_mem>>)
    %dma_start3A_67 = arith.constant 0 : i32
    %dma_start3A_68 = tpu.memref_slice %arg13[%add3A_56, %dma_start3A_67] : memref<10048x128xf32, #tpu.memory_space<vmem_shared>> -> memref<128x128xf32, #tpu.memory_space<vmem_shared>>
    %dma_start3A_69 = arith.constant 0 : i32
    %dma_start3A_70 = tpu.memref_slice %arg13[%add3A_56, %dma_start3A_69] : memref<10048x128xf32, #tpu.memory_space<vmem_shared>> -> memref<128x128xf32, #tpu.memory_space<vmem_shared>>
    tpu.enqueue_dma source(%arg12 : memref<128x128xf32, #tpu.memory_space<vmem>>) target(%dma_start3A_70 : memref<128x128xf32, #tpu.memory_space<vmem_shared>>) target_semaphore(%arg20 : memref<!tpu.dma_semaphore, #tpu.memory_space<semaphore_mem>>)
    %dma_start3A_71 = arith.constant 0 : i32
    %dma_start3A_72 = tpu.memref_slice %arg13[%add3A_58, %dma_start3A_71] : memref<10048x128xf32, #tpu.memory_space<vmem_shared>> -> memref<128x128xf32, #tpu.memory_space<vmem_shared>>
    %dma_start3A_73 = arith.constant 0 : i32
    %dma_start3A_74 = tpu.memref_slice %arg13[%add3A_58, %dma_start3A_73] : memref<10048x128xf32, #tpu.memory_space<vmem_shared>> -> memref<128x128xf32, #tpu.memory_space<vmem_shared>>
    tpu.enqueue_dma source(%arg12 : memref<128x128xf32, #tpu.memory_space<vmem>>) target(%dma_start3A_74 : memref<128x128xf32, #tpu.memory_space<vmem_shared>>) target_semaphore(%arg20 : memref<!tpu.dma_semaphore, #tpu.memory_space<semaphore_mem>>)
    %dma_start3A_75 = arith.constant 0 : i32
    %dma_start3A_76 = tpu.memref_slice %arg13[%add3A_60, %dma_start3A_75] : memref<10048x128xf32, #tpu.memory_space<vmem_shared>> -> memref<128x128xf32, #tpu.memory_space<vmem_shared>>
    %dma_start3A_77 = arith.constant 0 : i32
    %dma_start3A_78 = tpu.memref_slice %arg13[%add3A_60, %dma_start3A_77] : memref<10048x128xf32, #tpu.memory_space<vmem_shared>> -> memref<128x128xf32, #tpu.memory_space<vmem_shared>>
    tpu.enqueue_dma source(%arg12 : memref<128x128xf32, #tpu.memory_space<vmem>>) target(%dma_start3A_78 : memref<128x128xf32, #tpu.memory_space<vmem_shared>>) target_semaphore(%arg20 : memref<!tpu.dma_semaphore, #tpu.memory_space<semaphore_mem>>)
    %dma_start3A_79 = arith.constant 0 : i32
    %dma_start3A_80 = arith.constant 0 : i32
    %dma_start3A_81 = tpu.memref_slice %arg12[%dma_start3A_79, %dma_start3A_80] : memref<128x128xf32, #tpu.memory_space<vmem>> -> memref<116x128xf32, #tpu.memory_space<vmem>>
    %dma_start3A_82 = arith.constant 0 : i32
    %dma_start3A_83 = tpu.memref_slice %arg13[%sub3A_63, %dma_start3A_82] : memref<10048x128xf32, #tpu.memory_space<vmem_shared>> -> memref<116x128xf32, #tpu.memory_space<vmem_shared>>
    %dma_start3A_84 = arith.constant 0 : i32
    %dma_start3A_85 = tpu.memref_slice %arg13[%sub3A_63, %dma_start3A_84] : memref<10048x128xf32, #tpu.memory_space<vmem_shared>> -> memref<116x128xf32, #tpu.memory_space<vmem_shared>>
    %dma_start3A_86 = arith.constant 0 : i32
    %dma_start3A_87 = arith.constant 0 : i32
    %dma_start3A_88 = tpu.memref_slice %arg12[%dma_start3A_86, %dma_start3A_87] : memref<128x128xf32, #tpu.memory_space<vmem>> -> memref<116x128xf32, #tpu.memory_space<vmem>>
    tpu.enqueue_dma source(%dma_start3A_88 : memref<116x128xf32, #tpu.memory_space<vmem>>) target(%dma_start3A_85 : memref<116x128xf32, #tpu.memory_space<vmem_shared>>) target_semaphore(%arg20 : memref<!tpu.dma_semaphore, #tpu.memory_space<semaphore_mem>>)
    %dma_wait3A = arith.constant 0 : i32
    %dma_wait3A_89 = arith.constant 0 : i32
    %dma_wait3A_90 = tpu.memref_slice %arg3[%dma_wait3A, %dma_wait3A_89] : memref<2x320000xi32, #tpu.memory_space<hbm>> -> memref<2x128xi32, #tpu.memory_space<hbm>>
    %dma_wait3A_91 = arith.constant 0 : i32
    %dma_wait3A_92 = arith.constant 0 : i32
    %dma_wait3A_93 = tpu.memref_slice %arg3[%dma_wait3A_91, %dma_wait3A_92] : memref<2x320000xi32, #tpu.memory_space<hbm>> -> memref<2x128xi32, #tpu.memory_space<hbm>>
    tpu.wait_dma2 semaphore(%arg14 : memref<!tpu.dma_semaphore, #tpu.memory_space<semaphore_mem>>) src(%dma_wait3A_93 : memref<2x128xi32, #tpu.memory_space<hbm>>) dst(%arg6 : memref<2x128xi32, #tpu.memory_space<vmem>>)
    %dma_start3A_94 = arith.constant 0 : i32
    %dma_start3A_95 = arith.constant 0 : i32
    %dma_start3A_96 = tpu.memref_slice %arg6[%dma_start3A_94, %dma_start3A_95] : memref<2x128xi32, #tpu.memory_space<vmem>> -> memref<1x128xi32, #tpu.memory_space<vmem>>
    %dma_start3A_97 = tpu.memref_squeeze %dma_start3A_96 : memref<1x128xi32, #tpu.memory_space<vmem>> -> memref<128xi32, #tpu.memory_space<vmem>>
    %dma_start3A_98 = arith.constant 0 : i32
    %dma_start3A_99 = arith.constant 0 : i32
    %dma_start3A_100 = tpu.memref_slice %arg2[%dma_start3A_98, %dma_start3A_99] : memref<10000x128xf32, #tpu.memory_space<hbm>> -> memref<10000x128xf32, #tpu.memory_space<hbm>>
    tpu.enqueue_indirect_dma source(%dma_start3A_100 : memref<10000x128xf32, #tpu.memory_space<hbm>>) target(%arg10 : memref<128x128xf32, #tpu.memory_space<vmem>>) offsets(%dma_start3A_97 : memref<128xi32, #tpu.memory_space<vmem>>) semaphore(%arg18 : memref<!tpu.dma_semaphore, #tpu.memory_space<semaphore_mem>>)
    %dma_wait3A_101 = arith.constant 0 : i32
    %dma_wait3A_102 = arith.constant 0 : i32
    %dma_wait3A_103 = tpu.memref_slice %arg3[%dma_wait3A_101, %dma_wait3A_102] : memref<2x320000xi32, #tpu.memory_space<hbm>> -> memref<2x128xi32, #tpu.memory_space<hbm>>
    %dma_wait3A_104 = arith.constant 0 : i32
    %dma_wait3A_105 = arith.constant 0 : i32
    %dma_wait3A_106 = tpu.memref_slice %arg3[%dma_wait3A_104, %dma_wait3A_105] : memref<2x320000xi32, #tpu.memory_space<hbm>> -> memref<2x128xi32, #tpu.memory_space<hbm>>
    tpu.wait_dma2 semaphore(%arg15 : memref<!tpu.dma_semaphore, #tpu.memory_space<semaphore_mem>>) src(%dma_wait3A_106 : memref<2x128xi32, #tpu.memory_space<hbm>>) dst(%arg7 : memref<2x128xi32, #tpu.memory_space<vmem>>)
    %dma_start3A_107 = arith.constant 0 : i32
    %dma_start3A_108 = arith.constant 0 : i32
    %dma_start3A_109 = tpu.memref_slice %arg7[%dma_start3A_107, %dma_start3A_108] : memref<2x128xi32, #tpu.memory_space<vmem>> -> memref<1x128xi32, #tpu.memory_space<vmem>>
    %dma_start3A_110 = tpu.memref_squeeze %dma_start3A_109 : memref<1x128xi32, #tpu.memory_space<vmem>> -> memref<128xi32, #tpu.memory_space<vmem>>
    %dma_start3A_111 = arith.constant 0 : i32
    %dma_start3A_112 = arith.constant 0 : i32
    %dma_start3A_113 = tpu.memref_slice %arg2[%dma_start3A_111, %dma_start3A_112] : memref<10000x128xf32, #tpu.memory_space<hbm>> -> memref<10000x128xf32, #tpu.memory_space<hbm>>
    tpu.enqueue_indirect_dma source(%dma_start3A_113 : memref<10000x128xf32, #tpu.memory_space<hbm>>) target(%arg11 : memref<128x128xf32, #tpu.memory_space<vmem>>) offsets(%dma_start3A_110 : memref<128xi32, #tpu.memory_space<vmem>>) semaphore(%arg19 : memref<!tpu.dma_semaphore, #tpu.memory_space<semaphore_mem>>)
    %dma_wait3A_114 = arith.constant 0 : i32
    %dma_wait3A_115 = tpu.memref_slice %arg13[%add3A_54, %dma_wait3A_114] : memref<10048x128xf32, #tpu.memory_space<vmem_shared>> -> memref<128x128xf32, #tpu.memory_space<vmem_shared>>
    %dma_wait3A_116 = arith.constant 0 : i32
    %dma_wait3A_117 = tpu.memref_slice %arg13[%add3A_54, %dma_wait3A_116] : memref<10048x128xf32, #tpu.memory_space<vmem_shared>> -> memref<128x128xf32, #tpu.memory_space<vmem_shared>>
    tpu.wait_dma2 semaphore(%arg20 : memref<!tpu.dma_semaphore, #tpu.memory_space<semaphore_mem>>) src(%arg12 : memref<128x128xf32, #tpu.memory_space<vmem>>) dst(%dma_wait3A_117 : memref<128x128xf32, #tpu.memory_space<vmem_shared>>)
    %dma_wait3A_118 = arith.constant 0 : i32
    %dma_wait3A_119 = tpu.memref_slice %arg13[%add3A_56, %dma_wait3A_118] : memref<10048x128xf32, #tpu.memory_space<vmem_shared>> -> memref<128x128xf32, #tpu.memory_space<vmem_shared>>
    %dma_wait3A_120 = arith.constant 0 : i32
    %dma_wait3A_121 = tpu.memref_slice %arg13[%add3A_56, %dma_wait3A_120] : memref<10048x128xf32, #tpu.memory_space<vmem_shared>> -> memref<128x128xf32, #tpu.memory_space<vmem_shared>>
    tpu.wait_dma2 semaphore(%arg20 : memref<!tpu.dma_semaphore, #tpu.memory_space<semaphore_mem>>) src(%arg12 : memref<128x128xf32, #tpu.memory_space<vmem>>) dst(%dma_wait3A_121 : memref<128x128xf32, #tpu.memory_space<vmem_shared>>)
    %dma_wait3A_122 = arith.constant 0 : i32
    %dma_wait3A_123 = tpu.memref_slice %arg13[%add3A_58, %dma_wait3A_122] : memref<10048x128xf32, #tpu.memory_space<vmem_shared>> -> memref<128x128xf32, #tpu.memory_space<vmem_shared>>
    %dma_wait3A_124 = arith.constant 0 : i32
    %dma_wait3A_125 = tpu.memref_slice %arg13[%add3A_58, %dma_wait3A_124] : memref<10048x128xf32, #tpu.memory_space<vmem_shared>> -> memref<128x128xf32, #tpu.memory_space<vmem_shared>>
    tpu.wait_dma2 semaphore(%arg20 : memref<!tpu.dma_semaphore, #tpu.memory_space<semaphore_mem>>) src(%arg12 : memref<128x128xf32, #tpu.memory_space<vmem>>) dst(%dma_wait3A_125 : memref<128x128xf32, #tpu.memory_space<vmem_shared>>)
    %dma_wait3A_126 = arith.constant 0 : i32
    %dma_wait3A_127 = tpu.memref_slice %arg13[%add3A_60, %dma_wait3A_126] : memref<10048x128xf32, #tpu.memory_space<vmem_shared>> -> memref<128x128xf32, #tpu.memory_space<vmem_shared>>
    %dma_wait3A_128 = arith.constant 0 : i32
    %dma_wait3A_129 = tpu.memref_slice %arg13[%add3A_60, %dma_wait3A_128] : memref<10048x128xf32, #tpu.memory_space<vmem_shared>> -> memref<128x128xf32, #tpu.memory_space<vmem_shared>>
    tpu.wait_dma2 semaphore(%arg20 : memref<!tpu.dma_semaphore, #tpu.memory_space<semaphore_mem>>) src(%arg12 : memref<128x128xf32, #tpu.memory_space<vmem>>) dst(%dma_wait3A_129 : memref<128x128xf32, #tpu.memory_space<vmem_shared>>)
    %dma_wait3A_130 = arith.constant 0 : i32
    %dma_wait3A_131 = arith.constant 0 : i32
    %dma_wait3A_132 = tpu.memref_slice %arg12[%dma_wait3A_130, %dma_wait3A_131] : memref<128x128xf32, #tpu.memory_space<vmem>> -> memref<116x128xf32, #tpu.memory_space<vmem>>
    %dma_wait3A_133 = arith.constant 0 : i32
    %dma_wait3A_134 = tpu.memref_slice %arg13[%sub3A_63, %dma_wait3A_133] : memref<10048x128xf32, #tpu.memory_space<vmem_shared>> -> memref<116x128xf32, #tpu.memory_space<vmem_shared>>
    %dma_wait3A_135 = arith.constant 0 : i32
    %dma_wait3A_136 = tpu.memref_slice %arg13[%sub3A_63, %dma_wait3A_135] : memref<10048x128xf32, #tpu.memory_space<vmem_shared>> -> memref<116x128xf32, #tpu.memory_space<vmem_shared>>
    %dma_wait3A_137 = arith.constant 0 : i32
    %dma_wait3A_138 = arith.constant 0 : i32
    %dma_wait3A_139 = tpu.memref_slice %arg12[%dma_wait3A_137, %dma_wait3A_138] : memref<128x128xf32, #tpu.memory_space<vmem>> -> memref<116x128xf32, #tpu.memory_space<vmem>>
    tpu.wait_dma2 semaphore(%arg20 : memref<!tpu.dma_semaphore, #tpu.memory_space<semaphore_mem>>) src(%dma_wait3A_139 : memref<116x128xf32, #tpu.memory_space<vmem>>) dst(%dma_wait3A_136 : memref<116x128xf32, #tpu.memory_space<vmem_shared>>)
    %barrier3A = arith.constant 0 : index
    tpu.barrier barrier_id(%barrier3A)
    %scan3A_140 = arith.constant 0 : i32
    %scan3A_141 = arith.constant 21 : i32
    %scan3A_142 = arith.addi %scan3A_140, %scan3A_141 : i32
    %scan3A_143 = arith.constant 1 : i32
    scf.for %scan3A_169 = %scan3A_140 to %scan3A_142 step %scan3A_143  : i32 {
      %mul3A_170 = arith.constant 4 : i32
      %mul3A_171 = arith.muli %scan3A_169, %mul3A_170 : i32
      %add3A_172 = arith.constant 0 : i32
      %add3A_173 = arith.addi %add3A_172, %mul3A_171 : i32
      %add3A_174 = arith.constant 0 : i32
      %add3A_175 = arith.addi %add3A_173, %add3A_174 : i32
      %ge3A_176 = arith.constant 2 : i32
      %ge3A_177 = arith.cmpi sge, %add3A_175, %ge3A_176 : i32
      %lt3A_178 = arith.constant 80 : i32
      %lt3A_179 = arith.cmpi slt, %add3A_175, %lt3A_178 : i32
      %and3A = arith.andi %ge3A_177, %lt3A_179 : i1
      %convert_element_type3A_180 = arith.extui %and3A : i1 to i32
      %cond3A_181 = arith.constant 0 : i32
      %cond3A_182 = arith.cmpi ne, %convert_element_type3A_180, %cond3A_181 : i32
      scf.if %cond3A_182 {
        %dma_wait3A_325 = arith.constant 1 : i32
        %dma_wait3A_326 = arith.constant 0 : i32
        %dma_wait3A_327 = tpu.memref_slice %arg8[%dma_wait3A_325, %dma_wait3A_326] : memref<2x128xi32, #tpu.memory_space<vmem>> -> memref<1x128xi32, #tpu.memory_space<vmem>>
        %dma_wait3A_328 = tpu.memref_squeeze %dma_wait3A_327 : memref<1x128xi32, #tpu.memory_space<vmem>> -> memref<128xi32, #tpu.memory_space<vmem>>
        %dma_wait3A_329 = arith.constant 0 : i32
        %dma_wait3A_330 = arith.constant 0 : i32
        %dma_wait3A_331 = tpu.memref_slice %arg13[%dma_wait3A_329, %dma_wait3A_330] : memref<10048x128xf32, #tpu.memory_space<vmem_shared>> -> memref<10048x128xf32, #tpu.memory_space<vmem_shared>>
        tpu.wait_indirect_dma semaphore(%arg20 : memref<!tpu.dma_semaphore, #tpu.memory_space<semaphore_mem>>) src(%arg10 : memref<128x128xf32, #tpu.memory_space<vmem>>) dst(%dma_wait3A_331 : memref<10048x128xf32, #tpu.memory_space<vmem_shared>>)
      } else {
      }
      %ge3A_183 = arith.constant 2 : i32
      %ge3A_184 = arith.cmpi sge, %add3A_175, %ge3A_183 : i32
      %add3A_185 = arith.constant 2 : i32
      %add3A_186 = arith.addi %add3A_175, %add3A_185 : i32
      %lt3A_187 = arith.constant 80 : i32
      %lt3A_188 = arith.cmpi slt, %add3A_186, %lt3A_187 : i32
      %and3A_189 = arith.andi %ge3A_184, %lt3A_188 : i1
      %convert_element_type3A_190 = arith.extui %and3A_189 : i1 to i32
      %cond3A_191 = arith.constant 0 : i32
      %cond3A_192 = arith.cmpi ne, %convert_element_type3A_190, %cond3A_191 : i32
      scf.if %cond3A_192 {
        %add3A_325 = arith.constant 2 : i32
        %add3A_326 = arith.addi %add3A_175, %add3A_325 : i32
        %mul3A_327 = arith.constant 128 : i32
        %mul3A_328 = arith.muli %add3A_326, %mul3A_327 : i32
        %add3A_329 = arith.addi %mul3A_2, %mul3A_328 : i32
        %lt3A_330 = arith.constant 320000 : i32
        %lt3A_331 = arith.cmpi slt, %add3A_329, %lt3A_330 : i32
        %convert_element_type3A_332 = arith.extui %lt3A_331 : i1 to i32
        %cond3A_333 = arith.constant 0 : i32
        %cond3A_334 = arith.cmpi ne, %convert_element_type3A_332, %cond3A_333 : i32
        scf.if %cond3A_334 {
          %dma_start3A_340 = arith.constant 0 : i32
          %dma_start3A_341 = tpu.memref_slice %arg3[%dma_start3A_340, %add3A_329] : memref<2x320000xi32, #tpu.memory_space<hbm>> -> memref<2x128xi32, #tpu.memory_space<hbm>>
          %dma_start3A_342 = arith.constant 0 : i32
          %dma_start3A_343 = tpu.memref_slice %arg3[%dma_start3A_342, %add3A_329] : memref<2x320000xi32, #tpu.memory_space<hbm>> -> memref<2x128xi32, #tpu.memory_space<hbm>>
          tpu.enqueue_dma source(%dma_start3A_343 : memref<2x128xi32, #tpu.memory_space<hbm>>) target(%arg8 : memref<2x128xi32, #tpu.memory_space<vmem>>) target_semaphore(%arg16 : memref<!tpu.dma_semaphore, #tpu.memory_space<semaphore_mem>>)
        } else {
        }
        %ge3A_335 = arith.constant 320000 : i32
        %ge3A_336 = arith.cmpi sge, %add3A_329, %ge3A_335 : i32
        %convert_element_type3A_337 = arith.extui %ge3A_336 : i1 to i32
        %cond3A_338 = arith.constant 0 : i32
        %cond3A_339 = arith.cmpi ne, %convert_element_type3A_337, %cond3A_338 : i32
        scf.if %cond3A_339 {
          %sub3A_340 = arith.constant 320000 : i32
          %sub3A_341 = arith.subi %add3A_329, %sub3A_340 : i32
          %dma_start3A_342 = arith.constant 0 : i32
          %dma_start3A_343 = tpu.memref_slice %arg4[%dma_start3A_342, %sub3A_341] : memref<2x7680xi32, #tpu.memory_space<hbm>> -> memref<2x128xi32, #tpu.memory_space<hbm>>
          %dma_start3A_344 = arith.constant 0 : i32
          %dma_start3A_345 = tpu.memref_slice %arg4[%dma_start3A_344, %sub3A_341] : memref<2x7680xi32, #tpu.memory_space<hbm>> -> memref<2x128xi32, #tpu.memory_space<hbm>>
          tpu.enqueue_dma source(%dma_start3A_345 : memref<2x128xi32, #tpu.memory_space<hbm>>) target(%arg8 : memref<2x128xi32, #tpu.memory_space<vmem>>) target_semaphore(%arg16 : memref<!tpu.dma_semaphore, #tpu.memory_space<semaphore_mem>>)
        } else {
        }
      } else {
      }
      %ge3A_193 = arith.constant 2 : i32
      %ge3A_194 = arith.cmpi sge, %add3A_175, %ge3A_193 : i32
      %lt3A_195 = arith.constant 80 : i32
      %lt3A_196 = arith.cmpi slt, %add3A_175, %lt3A_195 : i32
      %and3A_197 = arith.andi %ge3A_194, %lt3A_196 : i1
      %convert_element_type3A_198 = arith.extui %and3A_197 : i1 to i32
      %cond3A_199 = arith.constant 0 : i32
      %cond3A_200 = arith.cmpi ne, %convert_element_type3A_198, %cond3A_199 : i32
      scf.if %cond3A_200 {
        %dma_wait3A_325 = arith.constant 0 : i32
        %dma_wait3A_326 = arith.constant 0 : i32
        %dma_wait3A_327 = tpu.memref_slice %arg3[%dma_wait3A_325, %dma_wait3A_326] : memref<2x320000xi32, #tpu.memory_space<hbm>> -> memref<2x128xi32, #tpu.memory_space<hbm>>
        %dma_wait3A_328 = arith.constant 0 : i32
        %dma_wait3A_329 = arith.constant 0 : i32
        %dma_wait3A_330 = tpu.memref_slice %arg3[%dma_wait3A_328, %dma_wait3A_329] : memref<2x320000xi32, #tpu.memory_space<hbm>> -> memref<2x128xi32, #tpu.memory_space<hbm>>
        tpu.wait_dma2 semaphore(%arg14 : memref<!tpu.dma_semaphore, #tpu.memory_space<semaphore_mem>>) src(%dma_wait3A_330 : memref<2x128xi32, #tpu.memory_space<hbm>>) dst(%arg6 : memref<2x128xi32, #tpu.memory_space<vmem>>)
        %dma_start3A_331 = arith.constant 0 : i32
        %dma_start3A_332 = arith.constant 0 : i32
        %dma_start3A_333 = tpu.memref_slice %arg6[%dma_start3A_331, %dma_start3A_332] : memref<2x128xi32, #tpu.memory_space<vmem>> -> memref<1x128xi32, #tpu.memory_space<vmem>>
        %dma_start3A_334 = tpu.memref_squeeze %dma_start3A_333 : memref<1x128xi32, #tpu.memory_space<vmem>> -> memref<128xi32, #tpu.memory_space<vmem>>
        %dma_start3A_335 = arith.constant 0 : i32
        %dma_start3A_336 = arith.constant 0 : i32
        %dma_start3A_337 = tpu.memref_slice %arg2[%dma_start3A_335, %dma_start3A_336] : memref<10000x128xf32, #tpu.memory_space<hbm>> -> memref<10000x128xf32, #tpu.memory_space<hbm>>
        tpu.enqueue_indirect_dma source(%dma_start3A_337 : memref<10000x128xf32, #tpu.memory_space<hbm>>) target(%arg10 : memref<128x128xf32, #tpu.memory_space<vmem>>) offsets(%dma_start3A_334 : memref<128xi32, #tpu.memory_space<vmem>>) semaphore(%arg18 : memref<!tpu.dma_semaphore, #tpu.memory_space<semaphore_mem>>)
      } else {
      }
      %sub3A_201 = arith.constant 1 : i32
      %sub3A_202 = arith.subi %add3A_175, %sub3A_201 : i32
      %ge3A_203 = arith.constant 0 : i32
      %ge3A_204 = arith.cmpi sge, %sub3A_202, %ge3A_203 : i32
      %lt3A_205 = arith.constant 80 : i32
      %lt3A_206 = arith.cmpi slt, %sub3A_202, %lt3A_205 : i32
      %and3A_207 = arith.andi %ge3A_204, %lt3A_206 : i1
      %convert_element_type3A_208 = arith.extui %and3A_207 : i1 to i32
      %cond3A_209 = arith.constant 0 : i32
      %cond3A_210 = arith.cmpi ne, %convert_element_type3A_208, %cond3A_209 : i32
      scf.if %cond3A_210 {
        %dma_wait3A_325 = arith.constant 0 : i32
        %dma_wait3A_326 = arith.constant 0 : i32
        %dma_wait3A_327 = tpu.memref_slice %arg9[%dma_wait3A_325, %dma_wait3A_326] : memref<2x128xi32, #tpu.memory_space<vmem>> -> memref<1x128xi32, #tpu.memory_space<vmem>>
        %dma_wait3A_328 = tpu.memref_squeeze %dma_wait3A_327 : memref<1x128xi32, #tpu.memory_space<vmem>> -> memref<128xi32, #tpu.memory_space<vmem>>
        %dma_wait3A_329 = arith.constant 0 : i32
        %dma_wait3A_330 = arith.constant 0 : i32
        %dma_wait3A_331 = tpu.memref_slice %arg2[%dma_wait3A_329, %dma_wait3A_330] : memref<10000x128xf32, #tpu.memory_space<hbm>> -> memref<10000x128xf32, #tpu.memory_space<hbm>>
        tpu.wait_indirect_dma semaphore(%arg19 : memref<!tpu.dma_semaphore, #tpu.memory_space<semaphore_mem>>) src(%dma_wait3A_331 : memref<10000x128xf32, #tpu.memory_space<hbm>>) dst(%arg11 : memref<128x128xf32, #tpu.memory_space<vmem>>)
        %dma_start3A_332 = arith.constant 1 : i32
        %dma_start3A_333 = arith.constant 0 : i32
        %dma_start3A_334 = tpu.memref_slice %arg9[%dma_start3A_332, %dma_start3A_333] : memref<2x128xi32, #tpu.memory_space<vmem>> -> memref<1x128xi32, #tpu.memory_space<vmem>>
        %dma_start3A_335 = tpu.memref_squeeze %dma_start3A_334 : memref<1x128xi32, #tpu.memory_space<vmem>> -> memref<128xi32, #tpu.memory_space<vmem>>
        %dma_start3A_336 = arith.constant 0 : i32
        %dma_start3A_337 = arith.constant 0 : i32
        %dma_start3A_338 = tpu.memref_slice %arg13[%dma_start3A_336, %dma_start3A_337] : memref<10048x128xf32, #tpu.memory_space<vmem_shared>> -> memref<10048x128xf32, #tpu.memory_space<vmem_shared>>
        tpu.enqueue_indirect_dma source(%arg11 : memref<128x128xf32, #tpu.memory_space<vmem>>) target(%dma_start3A_338 : memref<10048x128xf32, #tpu.memory_space<vmem_shared>>) offsets(%dma_start3A_335 : memref<128xi32, #tpu.memory_space<vmem>>) semaphore(%arg21 : memref<!tpu.dma_semaphore, #tpu.memory_space<semaphore_mem>>) {add = true}
      } else {
      }
      %add3A_211 = arith.constant 1 : i32
      %add3A_212 = arith.addi %add3A_173, %add3A_211 : i32
      %ge3A_213 = arith.constant 2 : i32
      %ge3A_214 = arith.cmpi sge, %add3A_212, %ge3A_213 : i32
      %lt3A_215 = arith.constant 80 : i32
      %lt3A_216 = arith.cmpi slt, %add3A_212, %lt3A_215 : i32
      %and3A_217 = arith.andi %ge3A_214, %lt3A_216 : i1
      %convert_element_type3A_218 = arith.extui %and3A_217 : i1 to i32
      %cond3A_219 = arith.constant 0 : i32
      %cond3A_220 = arith.cmpi ne, %convert_element_type3A_218, %cond3A_219 : i32
      scf.if %cond3A_220 {
        %dma_wait3A_325 = arith.constant 1 : i32
        %dma_wait3A_326 = arith.constant 0 : i32
        %dma_wait3A_327 = tpu.memref_slice %arg9[%dma_wait3A_325, %dma_wait3A_326] : memref<2x128xi32, #tpu.memory_space<vmem>> -> memref<1x128xi32, #tpu.memory_space<vmem>>
        %dma_wait3A_328 = tpu.memref_squeeze %dma_wait3A_327 : memref<1x128xi32, #tpu.memory_space<vmem>> -> memref<128xi32, #tpu.memory_space<vmem>>
        %dma_wait3A_329 = arith.constant 0 : i32
        %dma_wait3A_330 = arith.constant 0 : i32
        %dma_wait3A_331 = tpu.memref_slice %arg13[%dma_wait3A_329, %dma_wait3A_330] : memref<10048x128xf32, #tpu.memory_space<vmem_shared>> -> memref<10048x128xf32, #tpu.memory_space<vmem_shared>>
        tpu.wait_indirect_dma semaphore(%arg21 : memref<!tpu.dma_semaphore, #tpu.memory_space<semaphore_mem>>) src(%arg11 : memref<128x128xf32, #tpu.memory_space<vmem>>) dst(%dma_wait3A_331 : memref<10048x128xf32, #tpu.memory_space<vmem_shared>>)
      } else {
      }
      %ge3A_221 = arith.constant 2 : i32
      %ge3A_222 = arith.cmpi sge, %add3A_212, %ge3A_221 : i32
      %add3A_223 = arith.constant 2 : i32
      %add3A_224 = arith.addi %add3A_212, %add3A_223 : i32
      %lt3A_225 = arith.constant 80 : i32
      %lt3A_226 = arith.cmpi slt, %add3A_224, %lt3A_225 : i32
      %and3A_227 = arith.andi %ge3A_222, %lt3A_226 : i1
      %convert_element_type3A_228 = arith.extui %and3A_227 : i1 to i32
      %cond3A_229 = arith.constant 0 : i32
      %cond3A_230 = arith.cmpi ne, %convert_element_type3A_228, %cond3A_229 : i32
      scf.if %cond3A_230 {
        %add3A_325 = arith.constant 2 : i32
        %add3A_326 = arith.addi %add3A_212, %add3A_325 : i32
        %mul3A_327 = arith.constant 128 : i32
        %mul3A_328 = arith.muli %add3A_326, %mul3A_327 : i32
        %add3A_329 = arith.addi %mul3A_2, %mul3A_328 : i32
        %lt3A_330 = arith.constant 320000 : i32
        %lt3A_331 = arith.cmpi slt, %add3A_329, %lt3A_330 : i32
        %convert_element_type3A_332 = arith.extui %lt3A_331 : i1 to i32
        %cond3A_333 = arith.constant 0 : i32
        %cond3A_334 = arith.cmpi ne, %convert_element_type3A_332, %cond3A_333 : i32
        scf.if %cond3A_334 {
          %dma_start3A_340 = arith.constant 0 : i32
          %dma_start3A_341 = tpu.memref_slice %arg3[%dma_start3A_340, %add3A_329] : memref<2x320000xi32, #tpu.memory_space<hbm>> -> memref<2x128xi32, #tpu.memory_space<hbm>>
          %dma_start3A_342 = arith.constant 0 : i32
          %dma_start3A_343 = tpu.memref_slice %arg3[%dma_start3A_342, %add3A_329] : memref<2x320000xi32, #tpu.memory_space<hbm>> -> memref<2x128xi32, #tpu.memory_space<hbm>>
          tpu.enqueue_dma source(%dma_start3A_343 : memref<2x128xi32, #tpu.memory_space<hbm>>) target(%arg9 : memref<2x128xi32, #tpu.memory_space<vmem>>) target_semaphore(%arg17 : memref<!tpu.dma_semaphore, #tpu.memory_space<semaphore_mem>>)
        } else {
        }
        %ge3A_335 = arith.constant 320000 : i32
        %ge3A_336 = arith.cmpi sge, %add3A_329, %ge3A_335 : i32
        %convert_element_type3A_337 = arith.extui %ge3A_336 : i1 to i32
        %cond3A_338 = arith.constant 0 : i32
        %cond3A_339 = arith.cmpi ne, %convert_element_type3A_337, %cond3A_338 : i32
        scf.if %cond3A_339 {
          %sub3A_340 = arith.constant 320000 : i32
          %sub3A_341 = arith.subi %add3A_329, %sub3A_340 : i32
          %dma_start3A_342 = arith.constant 0 : i32
          %dma_start3A_343 = tpu.memref_slice %arg4[%dma_start3A_342, %sub3A_341] : memref<2x7680xi32, #tpu.memory_space<hbm>> -> memref<2x128xi32, #tpu.memory_space<hbm>>
          %dma_start3A_344 = arith.constant 0 : i32
          %dma_start3A_345 = tpu.memref_slice %arg4[%dma_start3A_344, %sub3A_341] : memref<2x7680xi32, #tpu.memory_space<hbm>> -> memref<2x128xi32, #tpu.memory_space<hbm>>
          tpu.enqueue_dma source(%dma_start3A_345 : memref<2x128xi32, #tpu.memory_space<hbm>>) target(%arg9 : memref<2x128xi32, #tpu.memory_space<vmem>>) target_semaphore(%arg17 : memref<!tpu.dma_semaphore, #tpu.memory_space<semaphore_mem>>)
        } else {
        }
      } else {
      }
      %ge3A_231 = arith.constant 2 : i32
      %ge3A_232 = arith.cmpi sge, %add3A_212, %ge3A_231 : i32
      %lt3A_233 = arith.constant 80 : i32
      %lt3A_234 = arith.cmpi slt, %add3A_212, %lt3A_233 : i32
      %and3A_235 = arith.andi %ge3A_232, %lt3A_234 : i1
      %convert_element_type3A_236 = arith.extui %and3A_235 : i1 to i32
      %cond3A_237 = arith.constant 0 : i32
      %cond3A_238 = arith.cmpi ne, %convert_element_type3A_236, %cond3A_237 : i32
      scf.if %cond3A_238 {
        %dma_wait3A_325 = arith.constant 0 : i32
        %dma_wait3A_326 = arith.constant 0 : i32
        %dma_wait3A_327 = tpu.memref_slice %arg3[%dma_wait3A_325, %dma_wait3A_326] : memref<2x320000xi32, #tpu.memory_space<hbm>> -> memref<2x128xi32, #tpu.memory_space<hbm>>
        %dma_wait3A_328 = arith.constant 0 : i32
        %dma_wait3A_329 = arith.constant 0 : i32
        %dma_wait3A_330 = tpu.memref_slice %arg3[%dma_wait3A_328, %dma_wait3A_329] : memref<2x320000xi32, #tpu.memory_space<hbm>> -> memref<2x128xi32, #tpu.memory_space<hbm>>
        tpu.wait_dma2 semaphore(%arg15 : memref<!tpu.dma_semaphore, #tpu.memory_space<semaphore_mem>>) src(%dma_wait3A_330 : memref<2x128xi32, #tpu.memory_space<hbm>>) dst(%arg7 : memref<2x128xi32, #tpu.memory_space<vmem>>)
        %dma_start3A_331 = arith.constant 0 : i32
        %dma_start3A_332 = arith.constant 0 : i32
        %dma_start3A_333 = tpu.memref_slice %arg7[%dma_start3A_331, %dma_start3A_332] : memref<2x128xi32, #tpu.memory_space<vmem>> -> memref<1x128xi32, #tpu.memory_space<vmem>>
        %dma_start3A_334 = tpu.memref_squeeze %dma_start3A_333 : memref<1x128xi32, #tpu.memory_space<vmem>> -> memref<128xi32, #tpu.memory_space<vmem>>
        %dma_start3A_335 = arith.constant 0 : i32
        %dma_start3A_336 = arith.constant 0 : i32
        %dma_start3A_337 = tpu.memref_slice %arg2[%dma_start3A_335, %dma_start3A_336] : memref<10000x128xf32, #tpu.memory_space<hbm>> -> memref<10000x128xf32, #tpu.memory_space<hbm>>
        tpu.enqueue_indirect_dma source(%dma_start3A_337 : memref<10000x128xf32, #tpu.memory_space<hbm>>) target(%arg11 : memref<128x128xf32, #tpu.memory_space<vmem>>) offsets(%dma_start3A_334 : memref<128xi32, #tpu.memory_space<vmem>>) semaphore(%arg19 : memref<!tpu.dma_semaphore, #tpu.memory_space<semaphore_mem>>)
      } else {
      }
      %sub3A_239 = arith.constant 1 : i32
      %sub3A_240 = arith.subi %add3A_212, %sub3A_239 : i32
      %ge3A_241 = arith.constant 0 : i32
      %ge3A_242 = arith.cmpi sge, %sub3A_240, %ge3A_241 : i32
      %lt3A_243 = arith.constant 80 : i32
      %lt3A_244 = arith.cmpi slt, %sub3A_240, %lt3A_243 : i32
      %and3A_245 = arith.andi %ge3A_242, %lt3A_244 : i1
      %convert_element_type3A_246 = arith.extui %and3A_245 : i1 to i32
      %cond3A_247 = arith.constant 0 : i32
      %cond3A_248 = arith.cmpi ne, %convert_element_type3A_246, %cond3A_247 : i32
      scf.if %cond3A_248 {
        %dma_wait3A_325 = arith.constant 0 : i32
        %dma_wait3A_326 = arith.constant 0 : i32
        %dma_wait3A_327 = tpu.memref_slice %arg6[%dma_wait3A_325, %dma_wait3A_326] : memref<2x128xi32, #tpu.memory_space<vmem>> -> memref<1x128xi32, #tpu.memory_space<vmem>>
        %dma_wait3A_328 = tpu.memref_squeeze %dma_wait3A_327 : memref<1x128xi32, #tpu.memory_space<vmem>> -> memref<128xi32, #tpu.memory_space<vmem>>
        %dma_wait3A_329 = arith.constant 0 : i32
        %dma_wait3A_330 = arith.constant 0 : i32
        %dma_wait3A_331 = tpu.memref_slice %arg2[%dma_wait3A_329, %dma_wait3A_330] : memref<10000x128xf32, #tpu.memory_space<hbm>> -> memref<10000x128xf32, #tpu.memory_space<hbm>>
        tpu.wait_indirect_dma semaphore(%arg18 : memref<!tpu.dma_semaphore, #tpu.memory_space<semaphore_mem>>) src(%dma_wait3A_331 : memref<10000x128xf32, #tpu.memory_space<hbm>>) dst(%arg10 : memref<128x128xf32, #tpu.memory_space<vmem>>)
        %dma_start3A_332 = arith.constant 1 : i32
        %dma_start3A_333 = arith.constant 0 : i32
        %dma_start3A_334 = tpu.memref_slice %arg6[%dma_start3A_332, %dma_start3A_333] : memref<2x128xi32, #tpu.memory_space<vmem>> -> memref<1x128xi32, #tpu.memory_space<vmem>>
        %dma_start3A_335 = tpu.memref_squeeze %dma_start3A_334 : memref<1x128xi32, #tpu.memory_space<vmem>> -> memref<128xi32, #tpu.memory_space<vmem>>
        %dma_start3A_336 = arith.constant 0 : i32
        %dma_start3A_337 = arith.constant 0 : i32
        %dma_start3A_338 = tpu.memref_slice %arg13[%dma_start3A_336, %dma_start3A_337] : memref<10048x128xf32, #tpu.memory_space<vmem_shared>> -> memref<10048x128xf32, #tpu.memory_space<vmem_shared>>
        tpu.enqueue_indirect_dma source(%arg10 : memref<128x128xf32, #tpu.memory_space<vmem>>) target(%dma_start3A_338 : memref<10048x128xf32, #tpu.memory_space<vmem_shared>>) offsets(%dma_start3A_335 : memref<128xi32, #tpu.memory_space<vmem>>) semaphore(%arg20 : memref<!tpu.dma_semaphore, #tpu.memory_space<semaphore_mem>>) {add = true}
      } else {
      }
      %add3A_249 = arith.constant 2 : i32
      %add3A_250 = arith.addi %add3A_173, %add3A_249 : i32
      %ge3A_251 = arith.constant 2 : i32
      %ge3A_252 = arith.cmpi sge, %add3A_250, %ge3A_251 : i32
      %lt3A_253 = arith.constant 80 : i32
      %lt3A_254 = arith.cmpi slt, %add3A_250, %lt3A_253 : i32
      %and3A_255 = arith.andi %ge3A_252, %lt3A_254 : i1
      %convert_element_type3A_256 = arith.extui %and3A_255 : i1 to i32
      %cond3A_257 = arith.constant 0 : i32
      %cond3A_258 = arith.cmpi ne, %convert_element_type3A_256, %cond3A_257 : i32
      scf.if %cond3A_258 {
        %dma_wait3A_325 = arith.constant 1 : i32
        %dma_wait3A_326 = arith.constant 0 : i32
        %dma_wait3A_327 = tpu.memref_slice %arg6[%dma_wait3A_325, %dma_wait3A_326] : memref<2x128xi32, #tpu.memory_space<vmem>> -> memref<1x128xi32, #tpu.memory_space<vmem>>
        %dma_wait3A_328 = tpu.memref_squeeze %dma_wait3A_327 : memref<1x128xi32, #tpu.memory_space<vmem>> -> memref<128xi32, #tpu.memory_space<vmem>>
        %dma_wait3A_329 = arith.constant 0 : i32
        %dma_wait3A_330 = arith.constant 0 : i32
        %dma_wait3A_331 = tpu.memref_slice %arg13[%dma_wait3A_329, %dma_wait3A_330] : memref<10048x128xf32, #tpu.memory_space<vmem_shared>> -> memref<10048x128xf32, #tpu.memory_space<vmem_shared>>
        tpu.wait_indirect_dma semaphore(%arg20 : memref<!tpu.dma_semaphore, #tpu.memory_space<semaphore_mem>>) src(%arg10 : memref<128x128xf32, #tpu.memory_space<vmem>>) dst(%dma_wait3A_331 : memref<10048x128xf32, #tpu.memory_space<vmem_shared>>)
      } else {
      }
      %ge3A_259 = arith.constant 2 : i32
      %ge3A_260 = arith.cmpi sge, %add3A_250, %ge3A_259 : i32
      %add3A_261 = arith.constant 2 : i32
      %add3A_262 = arith.addi %add3A_250, %add3A_261 : i32
      %lt3A_263 = arith.constant 80 : i32
      %lt3A_264 = arith.cmpi slt, %add3A_262, %lt3A_263 : i32
      %and3A_265 = arith.andi %ge3A_260, %lt3A_264 : i1
      %convert_element_type3A_266 = arith.extui %and3A_265 : i1 to i32
      %cond3A_267 = arith.constant 0 : i32
      %cond3A_268 = arith.cmpi ne, %convert_element_type3A_266, %cond3A_267 : i32
      scf.if %cond3A_268 {
        %add3A_325 = arith.constant 2 : i32
        %add3A_326 = arith.addi %add3A_250, %add3A_325 : i32
        %mul3A_327 = arith.constant 128 : i32
        %mul3A_328 = arith.muli %add3A_326, %mul3A_327 : i32
        %add3A_329 = arith.addi %mul3A_2, %mul3A_328 : i32
        %lt3A_330 = arith.constant 320000 : i32
        %lt3A_331 = arith.cmpi slt, %add3A_329, %lt3A_330 : i32
        %convert_element_type3A_332 = arith.extui %lt3A_331 : i1 to i32
        %cond3A_333 = arith.constant 0 : i32
        %cond3A_334 = arith.cmpi ne, %convert_element_type3A_332, %cond3A_333 : i32
        scf.if %cond3A_334 {
          %dma_start3A_340 = arith.constant 0 : i32
          %dma_start3A_341 = tpu.memref_slice %arg3[%dma_start3A_340, %add3A_329] : memref<2x320000xi32, #tpu.memory_space<hbm>> -> memref<2x128xi32, #tpu.memory_space<hbm>>
          %dma_start3A_342 = arith.constant 0 : i32
          %dma_start3A_343 = tpu.memref_slice %arg3[%dma_start3A_342, %add3A_329] : memref<2x320000xi32, #tpu.memory_space<hbm>> -> memref<2x128xi32, #tpu.memory_space<hbm>>
          tpu.enqueue_dma source(%dma_start3A_343 : memref<2x128xi32, #tpu.memory_space<hbm>>) target(%arg6 : memref<2x128xi32, #tpu.memory_space<vmem>>) target_semaphore(%arg14 : memref<!tpu.dma_semaphore, #tpu.memory_space<semaphore_mem>>)
        } else {
        }
        %ge3A_335 = arith.constant 320000 : i32
        %ge3A_336 = arith.cmpi sge, %add3A_329, %ge3A_335 : i32
        %convert_element_type3A_337 = arith.extui %ge3A_336 : i1 to i32
        %cond3A_338 = arith.constant 0 : i32
        %cond3A_339 = arith.cmpi ne, %convert_element_type3A_337, %cond3A_338 : i32
        scf.if %cond3A_339 {
          %sub3A_340 = arith.constant 320000 : i32
          %sub3A_341 = arith.subi %add3A_329, %sub3A_340 : i32
          %dma_start3A_342 = arith.constant 0 : i32
          %dma_start3A_343 = tpu.memref_slice %arg4[%dma_start3A_342, %sub3A_341] : memref<2x7680xi32, #tpu.memory_space<hbm>> -> memref<2x128xi32, #tpu.memory_space<hbm>>
          %dma_start3A_344 = arith.constant 0 : i32
          %dma_start3A_345 = tpu.memref_slice %arg4[%dma_start3A_344, %sub3A_341] : memref<2x7680xi32, #tpu.memory_space<hbm>> -> memref<2x128xi32, #tpu.memory_space<hbm>>
          tpu.enqueue_dma source(%dma_start3A_345 : memref<2x128xi32, #tpu.memory_space<hbm>>) target(%arg6 : memref<2x128xi32, #tpu.memory_space<vmem>>) target_semaphore(%arg14 : memref<!tpu.dma_semaphore, #tpu.memory_space<semaphore_mem>>)
        } else {
        }
      } else {
      }
      %ge3A_269 = arith.constant 2 : i32
      %ge3A_270 = arith.cmpi sge, %add3A_250, %ge3A_269 : i32
      %lt3A_271 = arith.constant 80 : i32
      %lt3A_272 = arith.cmpi slt, %add3A_250, %lt3A_271 : i32
      %and3A_273 = arith.andi %ge3A_270, %lt3A_272 : i1
      %convert_element_type3A_274 = arith.extui %and3A_273 : i1 to i32
      %cond3A_275 = arith.constant 0 : i32
      %cond3A_276 = arith.cmpi ne, %convert_element_type3A_274, %cond3A_275 : i32
      scf.if %cond3A_276 {
        %dma_wait3A_325 = arith.constant 0 : i32
        %dma_wait3A_326 = arith.constant 0 : i32
        %dma_wait3A_327 = tpu.memref_slice %arg3[%dma_wait3A_325, %dma_wait3A_326] : memref<2x320000xi32, #tpu.memory_space<hbm>> -> memref<2x128xi32, #tpu.memory_space<hbm>>
        %dma_wait3A_328 = arith.constant 0 : i32
        %dma_wait3A_329 = arith.constant 0 : i32
        %dma_wait3A_330 = tpu.memref_slice %arg3[%dma_wait3A_328, %dma_wait3A_329] : memref<2x320000xi32, #tpu.memory_space<hbm>> -> memref<2x128xi32, #tpu.memory_space<hbm>>
        tpu.wait_dma2 semaphore(%arg16 : memref<!tpu.dma_semaphore, #tpu.memory_space<semaphore_mem>>) src(%dma_wait3A_330 : memref<2x128xi32, #tpu.memory_space<hbm>>) dst(%arg8 : memref<2x128xi32, #tpu.memory_space<vmem>>)
        %dma_start3A_331 = arith.constant 0 : i32
        %dma_start3A_332 = arith.constant 0 : i32
        %dma_start3A_333 = tpu.memref_slice %arg8[%dma_start3A_331, %dma_start3A_332] : memref<2x128xi32, #tpu.memory_space<vmem>> -> memref<1x128xi32, #tpu.memory_space<vmem>>
        %dma_start3A_334 = tpu.memref_squeeze %dma_start3A_333 : memref<1x128xi32, #tpu.memory_space<vmem>> -> memref<128xi32, #tpu.memory_space<vmem>>
        %dma_start3A_335 = arith.constant 0 : i32
        %dma_start3A_336 = arith.constant 0 : i32
        %dma_start3A_337 = tpu.memref_slice %arg2[%dma_start3A_335, %dma_start3A_336] : memref<10000x128xf32, #tpu.memory_space<hbm>> -> memref<10000x128xf32, #tpu.memory_space<hbm>>
        tpu.enqueue_indirect_dma source(%dma_start3A_337 : memref<10000x128xf32, #tpu.memory_space<hbm>>) target(%arg10 : memref<128x128xf32, #tpu.memory_space<vmem>>) offsets(%dma_start3A_334 : memref<128xi32, #tpu.memory_space<vmem>>) semaphore(%arg18 : memref<!tpu.dma_semaphore, #tpu.memory_space<semaphore_mem>>)
      } else {
      }
      %sub3A_277 = arith.constant 1 : i32
      %sub3A_278 = arith.subi %add3A_250, %sub3A_277 : i32
      %ge3A_279 = arith.constant 0 : i32
      %ge3A_280 = arith.cmpi sge, %sub3A_278, %ge3A_279 : i32
      %lt3A_281 = arith.constant 80 : i32
      %lt3A_282 = arith.cmpi slt, %sub3A_278, %lt3A_281 : i32
      %and3A_283 = arith.andi %ge3A_280, %lt3A_282 : i1
      %convert_element_type3A_284 = arith.extui %and3A_283 : i1 to i32
      %cond3A_285 = arith.constant 0 : i32
      %cond3A_286 = arith.cmpi ne, %convert_element_type3A_284, %cond3A_285 : i32
      scf.if %cond3A_286 {
        %dma_wait3A_325 = arith.constant 0 : i32
        %dma_wait3A_326 = arith.constant 0 : i32
        %dma_wait3A_327 = tpu.memref_slice %arg7[%dma_wait3A_325, %dma_wait3A_326] : memref<2x128xi32, #tpu.memory_space<vmem>> -> memref<1x128xi32, #tpu.memory_space<vmem>>
        %dma_wait3A_328 = tpu.memref_squeeze %dma_wait3A_327 : memref<1x128xi32, #tpu.memory_space<vmem>> -> memref<128xi32, #tpu.memory_space<vmem>>
        %dma_wait3A_329 = arith.constant 0 : i32
        %dma_wait3A_330 = arith.constant 0 : i32
        %dma_wait3A_331 = tpu.memref_slice %arg2[%dma_wait3A_329, %dma_wait3A_330] : memref<10000x128xf32, #tpu.memory_space<hbm>> -> memref<10000x128xf32, #tpu.memory_space<hbm>>
        tpu.wait_indirect_dma semaphore(%arg19 : memref<!tpu.dma_semaphore, #tpu.memory_space<semaphore_mem>>) src(%dma_wait3A_331 : memref<10000x128xf32, #tpu.memory_space<hbm>>) dst(%arg11 : memref<128x128xf32, #tpu.memory_space<vmem>>)
        %dma_start3A_332 = arith.constant 1 : i32
        %dma_start3A_333 = arith.constant 0 : i32
        %dma_start3A_334 = tpu.memref_slice %arg7[%dma_start3A_332, %dma_start3A_333] : memref<2x128xi32, #tpu.memory_space<vmem>> -> memref<1x128xi32, #tpu.memory_space<vmem>>
        %dma_start3A_335 = tpu.memref_squeeze %dma_start3A_334 : memref<1x128xi32, #tpu.memory_space<vmem>> -> memref<128xi32, #tpu.memory_space<vmem>>
        %dma_start3A_336 = arith.constant 0 : i32
        %dma_start3A_337 = arith.constant 0 : i32
        %dma_start3A_338 = tpu.memref_slice %arg13[%dma_start3A_336, %dma_start3A_337] : memref<10048x128xf32, #tpu.memory_space<vmem_shared>> -> memref<10048x128xf32, #tpu.memory_space<vmem_shared>>
        tpu.enqueue_indirect_dma source(%arg11 : memref<128x128xf32, #tpu.memory_space<vmem>>) target(%dma_start3A_338 : memref<10048x128xf32, #tpu.memory_space<vmem_shared>>) offsets(%dma_start3A_335 : memref<128xi32, #tpu.memory_space<vmem>>) semaphore(%arg21 : memref<!tpu.dma_semaphore, #tpu.memory_space<semaphore_mem>>) {add = true}
      } else {
      }
      %add3A_287 = arith.constant 3 : i32
      %add3A_288 = arith.addi %add3A_173, %add3A_287 : i32
      %ge3A_289 = arith.constant 2 : i32
      %ge3A_290 = arith.cmpi sge, %add3A_288, %ge3A_289 : i32
      %lt3A_291 = arith.constant 80 : i32
      %lt3A_292 = arith.cmpi slt, %add3A_288, %lt3A_291 : i32
      %and3A_293 = arith.andi %ge3A_290, %lt3A_292 : i1
      %convert_element_type3A_294 = arith.extui %and3A_293 : i1 to i32
      %cond3A_295 = arith.constant 0 : i32
      %cond3A_296 = arith.cmpi ne, %convert_element_type3A_294, %cond3A_295 : i32
      scf.if %cond3A_296 {
        %dma_wait3A_325 = arith.constant 1 : i32
        %dma_wait3A_326 = arith.constant 0 : i32
        %dma_wait3A_327 = tpu.memref_slice %arg7[%dma_wait3A_325, %dma_wait3A_326] : memref<2x128xi32, #tpu.memory_space<vmem>> -> memref<1x128xi32, #tpu.memory_space<vmem>>
        %dma_wait3A_328 = tpu.memref_squeeze %dma_wait3A_327 : memref<1x128xi32, #tpu.memory_space<vmem>> -> memref<128xi32, #tpu.memory_space<vmem>>
        %dma_wait3A_329 = arith.constant 0 : i32
        %dma_wait3A_330 = arith.constant 0 : i32
        %dma_wait3A_331 = tpu.memref_slice %arg13[%dma_wait3A_329, %dma_wait3A_330] : memref<10048x128xf32, #tpu.memory_space<vmem_shared>> -> memref<10048x128xf32, #tpu.memory_space<vmem_shared>>
        tpu.wait_indirect_dma semaphore(%arg21 : memref<!tpu.dma_semaphore, #tpu.memory_space<semaphore_mem>>) src(%arg11 : memref<128x128xf32, #tpu.memory_space<vmem>>) dst(%dma_wait3A_331 : memref<10048x128xf32, #tpu.memory_space<vmem_shared>>)
      } else {
      }
      %ge3A_297 = arith.constant 2 : i32
      %ge3A_298 = arith.cmpi sge, %add3A_288, %ge3A_297 : i32
      %add3A_299 = arith.constant 2 : i32
      %add3A_300 = arith.addi %add3A_288, %add3A_299 : i32
      %lt3A_301 = arith.constant 80 : i32
      %lt3A_302 = arith.cmpi slt, %add3A_300, %lt3A_301 : i32
      %and3A_303 = arith.andi %ge3A_298, %lt3A_302 : i1
      %convert_element_type3A_304 = arith.extui %and3A_303 : i1 to i32
      %cond3A_305 = arith.constant 0 : i32
      %cond3A_306 = arith.cmpi ne, %convert_element_type3A_304, %cond3A_305 : i32
      scf.if %cond3A_306 {
        %add3A_325 = arith.constant 2 : i32
        %add3A_326 = arith.addi %add3A_288, %add3A_325 : i32
        %mul3A_327 = arith.constant 128 : i32
        %mul3A_328 = arith.muli %add3A_326, %mul3A_327 : i32
        %add3A_329 = arith.addi %mul3A_2, %mul3A_328 : i32
        %lt3A_330 = arith.constant 320000 : i32
        %lt3A_331 = arith.cmpi slt, %add3A_329, %lt3A_330 : i32
        %convert_element_type3A_332 = arith.extui %lt3A_331 : i1 to i32
        %cond3A_333 = arith.constant 0 : i32
        %cond3A_334 = arith.cmpi ne, %convert_element_type3A_332, %cond3A_333 : i32
        scf.if %cond3A_334 {
          %dma_start3A_340 = arith.constant 0 : i32
          %dma_start3A_341 = tpu.memref_slice %arg3[%dma_start3A_340, %add3A_329] : memref<2x320000xi32, #tpu.memory_space<hbm>> -> memref<2x128xi32, #tpu.memory_space<hbm>>
          %dma_start3A_342 = arith.constant 0 : i32
          %dma_start3A_343 = tpu.memref_slice %arg3[%dma_start3A_342, %add3A_329] : memref<2x320000xi32, #tpu.memory_space<hbm>> -> memref<2x128xi32, #tpu.memory_space<hbm>>
          tpu.enqueue_dma source(%dma_start3A_343 : memref<2x128xi32, #tpu.memory_space<hbm>>) target(%arg7 : memref<2x128xi32, #tpu.memory_space<vmem>>) target_semaphore(%arg15 : memref<!tpu.dma_semaphore, #tpu.memory_space<semaphore_mem>>)
        } else {
        }
        %ge3A_335 = arith.constant 320000 : i32
        %ge3A_336 = arith.cmpi sge, %add3A_329, %ge3A_335 : i32
        %convert_element_type3A_337 = arith.extui %ge3A_336 : i1 to i32
        %cond3A_338 = arith.constant 0 : i32
        %cond3A_339 = arith.cmpi ne, %convert_element_type3A_337, %cond3A_338 : i32
        scf.if %cond3A_339 {
          %sub3A_340 = arith.constant 320000 : i32
          %sub3A_341 = arith.subi %add3A_329, %sub3A_340 : i32
          %dma_start3A_342 = arith.constant 0 : i32
          %dma_start3A_343 = tpu.memref_slice %arg4[%dma_start3A_342, %sub3A_341] : memref<2x7680xi32, #tpu.memory_space<hbm>> -> memref<2x128xi32, #tpu.memory_space<hbm>>
          %dma_start3A_344 = arith.constant 0 : i32
          %dma_start3A_345 = tpu.memref_slice %arg4[%dma_start3A_344, %sub3A_341] : memref<2x7680xi32, #tpu.memory_space<hbm>> -> memref<2x128xi32, #tpu.memory_space<hbm>>
          tpu.enqueue_dma source(%dma_start3A_345 : memref<2x128xi32, #tpu.memory_space<hbm>>) target(%arg7 : memref<2x128xi32, #tpu.memory_space<vmem>>) target_semaphore(%arg15 : memref<!tpu.dma_semaphore, #tpu.memory_space<semaphore_mem>>)
        } else {
        }
      } else {
      }
      %ge3A_307 = arith.constant 2 : i32
      %ge3A_308 = arith.cmpi sge, %add3A_288, %ge3A_307 : i32
      %lt3A_309 = arith.constant 80 : i32
      %lt3A_310 = arith.cmpi slt, %add3A_288, %lt3A_309 : i32
      %and3A_311 = arith.andi %ge3A_308, %lt3A_310 : i1
      %convert_element_type3A_312 = arith.extui %and3A_311 : i1 to i32
      %cond3A_313 = arith.constant 0 : i32
      %cond3A_314 = arith.cmpi ne, %convert_element_type3A_312, %cond3A_313 : i32
      scf.if %cond3A_314 {
        %dma_wait3A_325 = arith.constant 0 : i32
        %dma_wait3A_326 = arith.constant 0 : i32
        %dma_wait3A_327 = tpu.memref_slice %arg3[%dma_wait3A_325, %dma_wait3A_326] : memref<2x320000xi32, #tpu.memory_space<hbm>> -> memref<2x128xi32, #tpu.memory_space<hbm>>
        %dma_wait3A_328 = arith.constant 0 : i32
        %dma_wait3A_329 = arith.constant 0 : i32
        %dma_wait3A_330 = tpu.memref_slice %arg3[%dma_wait3A_328, %dma_wait3A_329] : memref<2x320000xi32, #tpu.memory_space<hbm>> -> memref<2x128xi32, #tpu.memory_space<hbm>>
        tpu.wait_dma2 semaphore(%arg17 : memref<!tpu.dma_semaphore, #tpu.memory_space<semaphore_mem>>) src(%dma_wait3A_330 : memref<2x128xi32, #tpu.memory_space<hbm>>) dst(%arg9 : memref<2x128xi32, #tpu.memory_space<vmem>>)
        %dma_start3A_331 = arith.constant 0 : i32
        %dma_start3A_332 = arith.constant 0 : i32
        %dma_start3A_333 = tpu.memref_slice %arg9[%dma_start3A_331, %dma_start3A_332] : memref<2x128xi32, #tpu.memory_space<vmem>> -> memref<1x128xi32, #tpu.memory_space<vmem>>
        %dma_start3A_334 = tpu.memref_squeeze %dma_start3A_333 : memref<1x128xi32, #tpu.memory_space<vmem>> -> memref<128xi32, #tpu.memory_space<vmem>>
        %dma_start3A_335 = arith.constant 0 : i32
        %dma_start3A_336 = arith.constant 0 : i32
        %dma_start3A_337 = tpu.memref_slice %arg2[%dma_start3A_335, %dma_start3A_336] : memref<10000x128xf32, #tpu.memory_space<hbm>> -> memref<10000x128xf32, #tpu.memory_space<hbm>>
        tpu.enqueue_indirect_dma source(%dma_start3A_337 : memref<10000x128xf32, #tpu.memory_space<hbm>>) target(%arg11 : memref<128x128xf32, #tpu.memory_space<vmem>>) offsets(%dma_start3A_334 : memref<128xi32, #tpu.memory_space<vmem>>) semaphore(%arg19 : memref<!tpu.dma_semaphore, #tpu.memory_space<semaphore_mem>>)
      } else {
      }
      %sub3A_315 = arith.constant 1 : i32
      %sub3A_316 = arith.subi %add3A_288, %sub3A_315 : i32
      %ge3A_317 = arith.constant 0 : i32
      %ge3A_318 = arith.cmpi sge, %sub3A_316, %ge3A_317 : i32
      %lt3A_319 = arith.constant 80 : i32
      %lt3A_320 = arith.cmpi slt, %sub3A_316, %lt3A_319 : i32
      %and3A_321 = arith.andi %ge3A_318, %lt3A_320 : i1
      %convert_element_type3A_322 = arith.extui %and3A_321 : i1 to i32
      %cond3A_323 = arith.constant 0 : i32
      %cond3A_324 = arith.cmpi ne, %convert_element_type3A_322, %cond3A_323 : i32
      scf.if %cond3A_324 {
        %dma_wait3A_325 = arith.constant 0 : i32
        %dma_wait3A_326 = arith.constant 0 : i32
        %dma_wait3A_327 = tpu.memref_slice %arg8[%dma_wait3A_325, %dma_wait3A_326] : memref<2x128xi32, #tpu.memory_space<vmem>> -> memref<1x128xi32, #tpu.memory_space<vmem>>
        %dma_wait3A_328 = tpu.memref_squeeze %dma_wait3A_327 : memref<1x128xi32, #tpu.memory_space<vmem>> -> memref<128xi32, #tpu.memory_space<vmem>>
        %dma_wait3A_329 = arith.constant 0 : i32
        %dma_wait3A_330 = arith.constant 0 : i32
        %dma_wait3A_331 = tpu.memref_slice %arg2[%dma_wait3A_329, %dma_wait3A_330] : memref<10000x128xf32, #tpu.memory_space<hbm>> -> memref<10000x128xf32, #tpu.memory_space<hbm>>
        tpu.wait_indirect_dma semaphore(%arg18 : memref<!tpu.dma_semaphore, #tpu.memory_space<semaphore_mem>>) src(%dma_wait3A_331 : memref<10000x128xf32, #tpu.memory_space<hbm>>) dst(%arg10 : memref<128x128xf32, #tpu.memory_space<vmem>>)
        %dma_start3A_332 = arith.constant 1 : i32
        %dma_start3A_333 = arith.constant 0 : i32
        %dma_start3A_334 = tpu.memref_slice %arg8[%dma_start3A_332, %dma_start3A_333] : memref<2x128xi32, #tpu.memory_space<vmem>> -> memref<1x128xi32, #tpu.memory_space<vmem>>
        %dma_start3A_335 = tpu.memref_squeeze %dma_start3A_334 : memref<1x128xi32, #tpu.memory_space<vmem>> -> memref<128xi32, #tpu.memory_space<vmem>>
        %dma_start3A_336 = arith.constant 0 : i32
        %dma_start3A_337 = arith.constant 0 : i32
        %dma_start3A_338 = tpu.memref_slice %arg13[%dma_start3A_336, %dma_start3A_337] : memref<10048x128xf32, #tpu.memory_space<vmem_shared>> -> memref<10048x128xf32, #tpu.memory_space<vmem_shared>>
        tpu.enqueue_indirect_dma source(%arg10 : memref<128x128xf32, #tpu.memory_space<vmem>>) target(%dma_start3A_338 : memref<10048x128xf32, #tpu.memory_space<vmem_shared>>) offsets(%dma_start3A_335 : memref<128xi32, #tpu.memory_space<vmem>>) semaphore(%arg20 : memref<!tpu.dma_semaphore, #tpu.memory_space<semaphore_mem>>) {add = true}
      } else {
      }
    }
    %scan3A_144 = arith.constant 21 : i32
    %dma_wait3A_145 = arith.constant 1 : i32
    %dma_wait3A_146 = arith.constant 0 : i32
    %dma_wait3A_147 = tpu.memref_slice %arg8[%dma_wait3A_145, %dma_wait3A_146] : memref<2x128xi32, #tpu.memory_space<vmem>> -> memref<1x128xi32, #tpu.memory_space<vmem>>
    %dma_wait3A_148 = tpu.memref_squeeze %dma_wait3A_147 : memref<1x128xi32, #tpu.memory_space<vmem>> -> memref<128xi32, #tpu.memory_space<vmem>>
    %dma_wait3A_149 = arith.constant 0 : i32
    %dma_wait3A_150 = arith.constant 0 : i32
    %dma_wait3A_151 = tpu.memref_slice %arg13[%dma_wait3A_149, %dma_wait3A_150] : memref<10048x128xf32, #tpu.memory_space<vmem_shared>> -> memref<10048x128xf32, #tpu.memory_space<vmem_shared>>
    tpu.wait_indirect_dma semaphore(%arg20 : memref<!tpu.dma_semaphore, #tpu.memory_space<semaphore_mem>>) src(%arg10 : memref<128x128xf32, #tpu.memory_space<vmem>>) dst(%dma_wait3A_151 : memref<10048x128xf32, #tpu.memory_space<vmem_shared>>)
    %dma_wait3A_152 = arith.constant 1 : i32
    %dma_wait3A_153 = arith.constant 0 : i32
    %dma_wait3A_154 = tpu.memref_slice %arg9[%dma_wait3A_152, %dma_wait3A_153] : memref<2x128xi32, #tpu.memory_space<vmem>> -> memref<1x128xi32, #tpu.memory_space<vmem>>
    %dma_wait3A_155 = tpu.memref_squeeze %dma_wait3A_154 : memref<1x128xi32, #tpu.memory_space<vmem>> -> memref<128xi32, #tpu.memory_space<vmem>>
    %dma_wait3A_156 = arith.constant 0 : i32
    %dma_wait3A_157 = arith.constant 0 : i32
    %dma_wait3A_158 = tpu.memref_slice %arg13[%dma_wait3A_156, %dma_wait3A_157] : memref<10048x128xf32, #tpu.memory_space<vmem_shared>> -> memref<10048x128xf32, #tpu.memory_space<vmem_shared>>
    tpu.wait_indirect_dma semaphore(%arg21 : memref<!tpu.dma_semaphore, #tpu.memory_space<semaphore_mem>>) src(%arg11 : memref<128x128xf32, #tpu.memory_space<vmem>>) dst(%dma_wait3A_158 : memref<10048x128xf32, #tpu.memory_space<vmem_shared>>)
    %barrier3A_159 = arith.constant 0 : index
    tpu.barrier barrier_id(%barrier3A_159)
    %lt3A_160 = arith.constant 15 : i32
    %lt3A_161 = arith.cmpi slt, %arg1, %lt3A_160 : i32
    %convert_element_type3A_162 = arith.extui %lt3A_161 : i1 to i32
    %cond3A_163 = arith.constant 0 : i32
    %cond3A_164 = arith.cmpi ne, %convert_element_type3A_162, %cond3A_163 : i32
    scf.if %cond3A_164 {
      %mul3A_169 = arith.constant 632 : i32
      %mul3A_170 = arith.muli %arg1, %mul3A_169 : i32
      %mul3A_171 = arith.constant 632 : i32
      %mul3A_172 = arith.muli %arg1, %mul3A_171 : i32
      "tpu.region"() ({
        %run_scoped3A = tpu.sem_alloc : memref<!tpu.dma_semaphore, #tpu.memory_space<semaphore_mem>>
        %dma_start3A_173 = arith.constant 0 : i32
        %dma_start3A_174 = tpu.memref_slice %arg5[%arg0, %mul3A_172, %dma_start3A_173] : memref<2x10000x128xf32, #tpu.memory_space<hbm>> -> memref<1x632x128xf32, #tpu.memory_space<hbm>>
        %dma_start3A_175 = tpu.memref_squeeze %dma_start3A_174 : memref<1x632x128xf32, #tpu.memory_space<hbm>> -> memref<632x128xf32, #tpu.memory_space<hbm>>
        %dma_start3A_176 = arith.constant 0 : i32
        %dma_start3A_177 = tpu.memref_slice %arg13[%mul3A_170, %dma_start3A_176] : memref<10048x128xf32, #tpu.memory_space<vmem_shared>> -> memref<632x128xf32, #tpu.memory_space<vmem_shared>>
        tpu.enqueue_dma source(%dma_start3A_177 : memref<632x128xf32, #tpu.memory_space<vmem_shared>>) target(%dma_start3A_175 : memref<632x128xf32, #tpu.memory_space<hbm>>) target_semaphore(%run_scoped3A : memref<!tpu.dma_semaphore, #tpu.memory_space<semaphore_mem>>)
        %dma_wait3A_178 = arith.constant 0 : i32
        %dma_wait3A_179 = tpu.memref_slice %arg5[%arg0, %mul3A_172, %dma_wait3A_178] : memref<2x10000x128xf32, #tpu.memory_space<hbm>> -> memref<1x632x128xf32, #tpu.memory_space<hbm>>
        %dma_wait3A_180 = tpu.memref_squeeze %dma_wait3A_179 : memref<1x632x128xf32, #tpu.memory_space<hbm>> -> memref<632x128xf32, #tpu.memory_space<hbm>>
        %dma_wait3A_181 = arith.constant 0 : i32
        %dma_wait3A_182 = tpu.memref_slice %arg13[%mul3A_170, %dma_wait3A_181] : memref<10048x128xf32, #tpu.memory_space<vmem_shared>> -> memref<632x128xf32, #tpu.memory_space<vmem_shared>>
        tpu.wait_dma2 semaphore(%run_scoped3A : memref<!tpu.dma_semaphore, #tpu.memory_space<semaphore_mem>>) src(%dma_wait3A_182 : memref<632x128xf32, #tpu.memory_space<vmem_shared>>) dst(%dma_wait3A_180 : memref<632x128xf32, #tpu.memory_space<hbm>>)
        tpu.yield
      }) : () -> ()
    } else {
    }
    %eq3A = arith.constant 15 : i32
    %eq3A_165 = arith.cmpi eq, %arg1, %eq3A : i32
    %convert_element_type3A_166 = arith.extui %eq3A_165 : i1 to i32
    %cond3A_167 = arith.constant 0 : i32
    %cond3A_168 = arith.cmpi ne, %convert_element_type3A_166, %cond3A_167 : i32
    scf.if %cond3A_168 {
      "tpu.region"() ({
        %run_scoped3A = tpu.sem_alloc : memref<!tpu.dma_semaphore, #tpu.memory_space<semaphore_mem>>
        %dma_start3A_169 = arith.constant 9480 : i32
        %dma_start3A_170 = arith.constant 0 : i32
        %dma_start3A_171 = tpu.memref_slice %arg5[%arg0, %dma_start3A_169, %dma_start3A_170] : memref<2x10000x128xf32, #tpu.memory_space<hbm>> -> memref<1x520x128xf32, #tpu.memory_space<hbm>>
        %dma_start3A_172 = tpu.memref_squeeze %dma_start3A_171 : memref<1x520x128xf32, #tpu.memory_space<hbm>> -> memref<520x128xf32, #tpu.memory_space<hbm>>
        %dma_start3A_173 = arith.constant 9480 : i32
        %dma_start3A_174 = arith.constant 0 : i32
        %dma_start3A_175 = tpu.memref_slice %arg13[%dma_start3A_173, %dma_start3A_174] : memref<10048x128xf32, #tpu.memory_space<vmem_shared>> -> memref<520x128xf32, #tpu.memory_space<vmem_shared>>
        tpu.enqueue_dma source(%dma_start3A_175 : memref<520x128xf32, #tpu.memory_space<vmem_shared>>) target(%dma_start3A_172 : memref<520x128xf32, #tpu.memory_space<hbm>>) target_semaphore(%run_scoped3A : memref<!tpu.dma_semaphore, #tpu.memory_space<semaphore_mem>>)
        %dma_wait3A_176 = arith.constant 9480 : i32
        %dma_wait3A_177 = arith.constant 0 : i32
        %dma_wait3A_178 = tpu.memref_slice %arg5[%arg0, %dma_wait3A_176, %dma_wait3A_177] : memref<2x10000x128xf32, #tpu.memory_space<hbm>> -> memref<1x520x128xf32, #tpu.memory_space<hbm>>
        %dma_wait3A_179 = tpu.memref_squeeze %dma_wait3A_178 : memref<1x520x128xf32, #tpu.memory_space<hbm>> -> memref<520x128xf32, #tpu.memory_space<hbm>>
        %dma_wait3A_180 = arith.constant 9480 : i32
        %dma_wait3A_181 = arith.constant 0 : i32
        %dma_wait3A_182 = tpu.memref_slice %arg13[%dma_wait3A_180, %dma_wait3A_181] : memref<10048x128xf32, #tpu.memory_space<vmem_shared>> -> memref<520x128xf32, #tpu.memory_space<vmem_shared>>
        tpu.wait_dma2 semaphore(%run_scoped3A : memref<!tpu.dma_semaphore, #tpu.memory_space<semaphore_mem>>) src(%dma_wait3A_182 : memref<520x128xf32, #tpu.memory_space<vmem_shared>>) dst(%dma_wait3A_179 : memref<520x128xf32, #tpu.memory_space<hbm>>)
        tpu.yield
      }) : () -> ()
    } else {
    }
    return
  }
}

module attributes {stable_mosaic.version = 14 : i64} {
  func.func @_tc_body(%arg0: i32, %arg1: memref<2x2000x128xf32, #tpu.memory_space<vmem>>, %arg2: memref<128x128xf32, #tpu.memory_space<vmem>>, %arg3: memref<1x128xf32, #tpu.memory_space<vmem>>, %arg4: memref<2000x128xf32, #tpu.memory_space<vmem>>) attributes {dimension_semantics = [#tpu.dimension_semantics<arbitrary>], iteration_bounds = array<i64: 5>, scalar_prefetch = 0 : i64, scratch_operands = 0 : i64, tpu.core_type = #tpu.core_type<tc>, window_params = [{transform_indices = @transform_0, window_bounds = array<i64: 2, 2000, 128>}, {pipeline_mode = #tpu.pipeline_mode<synchronous>, transform_indices = @transform_1, window_bounds = array<i64: 128, 128>}, {pipeline_mode = #tpu.pipeline_mode<synchronous>, transform_indices = @transform_2, window_bounds = array<i64: 1, 128>}, {transform_indices = @transform_3, window_bounds = array<i64: 2000, 128>}]} {
    %get3A = arith.constant 0 : index
    %get3A_0 = arith.constant 0 : index
    %get3A_1 = arith.constant 0 : index
    %get3A_2 = vector.load %arg1[%get3A, %get3A_0, %get3A_1] : memref<2x2000x128xf32, #tpu.memory_space<vmem>>, vector<1x2000x128xf32>
    %get3A_3 = vector.shape_cast %get3A_2 : vector<1x2000x128xf32> to vector<2000x128xf32>
    %get3A_4 = arith.constant 1 : index
    %get3A_5 = arith.constant 0 : index
    %get3A_6 = arith.constant 0 : index
    %get3A_7 = vector.load %arg1[%get3A_4, %get3A_5, %get3A_6] : memref<2x2000x128xf32, #tpu.memory_space<vmem>>, vector<1x2000x128xf32>
    %get3A_8 = vector.shape_cast %get3A_7 : vector<1x2000x128xf32> to vector<2000x128xf32>
    %add3A = arith.addf %get3A_3, %get3A_8 : vector<2000x128xf32>
    %get3A_9 = arith.constant 0 : index
    %get3A_10 = arith.constant 0 : index
    %get3A_11 = vector.load %arg2[%get3A_9, %get3A_10] : memref<128x128xf32, #tpu.memory_space<vmem>>, vector<128x128xf32>
    %dot_general3A = arith.constant dense<0.000000e+00> : vector<2000x128xf32>
    %dot_general3A_12 = tpu.matmul %add3A, %get3A_11, %dot_general3A {dimension_numbers = #tpu.dot_dimension_numbers<[1], [0], [0], [1], [0, 0, 1, 1], [], []>, precision = #tpu.contract_precision<fp32>, transpose_lhs_hint = false} : vector<2000x128xf32>, vector<128x128xf32>, vector<2000x128xf32> -> vector<2000x128xf32>
    %get3A_13 = arith.constant 0 : index
    %get3A_14 = arith.constant 0 : index
    %get3A_15 = vector.load %arg3[%get3A_13, %get3A_14] : memref<1x128xf32, #tpu.memory_space<vmem>>, vector<1x128xf32>
    %add3A_16 = vector.broadcast %get3A_15 : vector<1x128xf32> to vector<2000x128xf32>
    %add3A_17 = arith.addf %dot_general3A_12, %add3A_16 : vector<2000x128xf32>
    %swap3A = arith.constant 0 : index
    %swap3A_18 = arith.constant 0 : index
    %swap3A_19 = vector.load %arg4[%swap3A, %swap3A_18] : memref<2000x128xf32, #tpu.memory_space<vmem>>, vector<2000x128xf32>
    tpu.vector_store %arg4[%swap3A, %swap3A_18], %add3A_17 {strides = array<i32>} : memref<2000x128xf32, #tpu.memory_space<vmem>>, vector<2000x128xf32>,
    return
  }
  func.func @transform_0(%arg0: i32) -> (i32, i32, i32) {
    %c0_i32 = arith.constant 0 : i32
    %c0_i32_0 = arith.constant 0 : i32
    %c0_i32_1 = arith.constant 0 : i32
    return %c0_i32, %arg0, %c0_i32_0 : i32, i32, i32
  }
  func.func @transform_1(%arg0: i32) -> (i32, i32) {
    %c0_i32 = arith.constant 0 : i32
    %c0_i32_0 = arith.constant 0 : i32
    %c0_i32_1 = arith.constant 0 : i32
    return %c0_i32, %c0_i32_0 : i32, i32
  }
  func.func @transform_2(%arg0: i32) -> (i32, i32) {
    %c0_i32 = arith.constant 0 : i32
    %c0_i32_0 = arith.constant 0 : i32
    %c0_i32_1 = arith.constant 0 : i32
    return %c0_i32, %c0_i32_0 : i32, i32
  }
  func.func @transform_3(%arg0: i32) -> (i32, i32) {
    %c0_i32 = arith.constant 0 : i32
    %c0_i32_0 = arith.constant 0 : i32
    return %arg0, %c0_i32 : i32, i32
  }
}

</mosaic_0001>

<sc_bundles>
// kernel: kernel.4.cloned.1.call-start
scs
__scs_entry_jumppad:
0x0: {  	(pc) =	sbr.rel $0x88, $3  }
0x1: {  	(tag) =	ssettag $0x0;
	lr =	simm.s32 $0x1  }
0x2: {  	[smem:$0x3F9D] =	sst lr;
	_ =	strace $0xD0000000  }
0x3: {  	_ = 	snop  }
0x4: {  	_ = 	snop  }
0x5: {  	_ = 	snop  }
0x6: {  	_ = 	snop  }
0x7: {  	_ = 	snop  }
__scs_overlays_trampoline_lowered:
0x8: {  	[smem:$0x3FAC] =	sst s0  }
0x9: {  	[smem:$0x3FAD] =	sst s1  }
0xa: {  	[smem:$0x3FAE] =	sst s2  }
0xb: {  	[smem:$0x3FAF] =	sst s3  }
0xc: {  	[smem:$0x3FB0] =	sst s4  }
0xd: {  	[smem:$0x3FB1] =	sst s5  }
0xe: {  	[smem:$0x3FB2] =	sst s6  }
0xf: {  	[smem:$0x3FB3] =	sst s7  }
0x10: {  	[smem:$0x3FB4] =	sst s8  }
0x11: {  	[smem:$0x3FB5] =	sst s9;
	s0 =	simm.s32 @!p0 $0x0  }
0x12: {  	s1 =	sld [smem:$0x3F9B];
	s0 =	simm.s32 @p0 $0x1  }
0x13: {  	[smem:$0x3FB6] =	sst s0;
	s0 =	simm.s32 @!p1 $0x0  }
0x14: {  	s2 =	sld [smem:$0x3F9A];
	s0 =	simm.s32 @p1 $0x1  }
0x15: {  	[smem:$0x3FB7] =	sst s0;
	s0 =	simm.s32 @!p2 $0x0  }
0x16: {  	s3 =	sld [smem:$0x3FDB];
	s0 =	simm.s32 @p2 $0x1  }
0x17: {  	s4 =	simm.s32 $0x1BF5;
	[smem:$0x3FB9] =	sst s0  }
0x18: {  	s0 =	sld [smem:$0x3F9C];
	_ =	swait.ge [sflag:s4], $0x0  }
0x19: {  	s7 =	sld [smem:$0x3F9D]  }
0x1a: {  	s8 =	sadd.s32 $0xFFFFE003, lr  }
0x1b: {  	s9 =	sadd.s32 $0xFFFFFEF7, lr;
	s5 =	simm.s32 $0xFFFFFFFF;
	p2 =	slt.u32 s8, $0xFFFFF086  }
0x1c: {  	p1 =	slt.u32 s9, $0xF7A;
	s5 =	simm.s32 @!p2 $0x0  }
0x1d: {  	s5 =	simm.s32 @p1 $0x1;
	p0 =	seq.s32 s7, s2  }
0x1e: {  	s7 =	smul.u32 @!p0 $0xF7A, s2;
	p2 =	seq.s32 @!p0 s5, $0x0  }
0x1f: {  	s9 =	smul.u32 $0xF7A, s1;
	s8 =	simm.s32 @!p0 $0x1BF5;
	p2 =	por !p2, p0  }
0x20: {  	[sflag:s8] =	ssyncset.s32 @!p0 $0xFFFFF086;
	s6 =	sadd.s32 @!p0 s3, s7;
	s7 =	simm.s32 @!p0 $0x108  }
0x21: {  	s3 =	sadd.s32 s3, s9;
	s6 =	sadd.s32 @!p0 $0x88, s6;
	s7 =	simm.s32 @p2 $0x1082  }
0x22: {  	[simem:s7], [sflag:s8] =	dma.local @!p0 [hbm:s6], $0xF7A  }
0x23: {  	s9 =	sor.u32 $0xD0000000, s2;
	s6 =	simm.s32 $0x108;
	_ =	swait.ge @!p0 [sflag:s8], $0x0  }
0x24: {  	s3 =	sadd.s32 $0x88, s3;
	s6 =	simm.s32 @!p1 $0x1082;
	[sflag:s4] =	ssyncset.s32 $0xFFFFF086  }
0x25: {  	[simem:s6], [sflag:s4] =	dma.local [hbm:s3], $0xF7A  }
0x26: {  	[smem:$0x3F9D] =	sst s1;
	(tag) =	ssettag s2;
	_ =	strace s9  }
0x27: {  	s1 =	sld [smem:$0x3FAD]  }
0x28: {  	s2 =	sld [smem:$0x3FAE]  }
0x29: {  	s4 =	sld [smem:$0x3FB0]  }
0x2a: {  	p0 =	seq.s32 s5, $0x0;
	s5 =	sld [smem:$0x3FB1]  }
0x2b: {  	s6 =	sld [smem:$0x3FB2]  }
0x2c: {  	s7 =	sld [smem:$0x3FB3]  }
0x2d: {  	s3 =	simm.s32 $0x108;
	s8 =	sld [smem:$0x3FB4]  }
0x2e: {  	s3 =	simm.s32 @!p0 $0x1082;
	s9 =	sld [smem:$0x3FB5]  }
0x2f: {  	lr =	sadd.s32 s0, s3;
	s0 =	sld [smem:$0x3FAC]  }
0x30: {  	s3 =	sld [smem:$0x3FAF]  }
0x31: {  	[smem:$0x3FB8] =	sst s10  }
0x32: {  	s10 =	sld [smem:$0x3FB6];
	_ =	sdelay $0x3  }
0x33: {  	p0 =	seq.s32 s10, $0x1;
	s10 =	sld [smem:$0x3FB8];
	_ =	sdelay $0x3  }
0x34: {  	[smem:$0x3FB8] =	sst s10  }
0x35: {  	s10 =	sld [smem:$0x3FB7];
	_ =	sdelay $0x3  }
0x36: {  	p1 =	seq.s32 s10, $0x1;
	s10 =	sld [smem:$0x3FB8];
	_ =	sdelay $0x3  }
0x37: {  	[smem:$0x3FB8] =	sst s10  }
0x38: {  	s10 =	sld [smem:$0x3FB9]  }
0x39: {  	_ = 	snop;
	(pc) =	sbr.ind lr, $3  }
0x3a: {  	_ = 	snop  }
0x3b: {  	_ = 	snop  }
0x3c: {  	p2 =	seq.s32 s10, $0x1;
	s10 =	sld [smem:$0x3FB8]  }
0x3d: {  	_ =	shalt  }
0x3e: {  	_ =	shalt  }
0x3f: {  	_ =	shalt  }
0x40: {  	_ =	shalt  }
0x41: {  	_ =	shalt  }
0x42: {  	_ =	shalt  }
0x43: {  	_ =	shalt  }
0x44: {  	_ =	shalt  }
0x45: {  	_ =	shalt  }
0x46: {  	_ =	shalt  }
0x47: {  	_ =	shalt  }
0x48: {  	_ =	shalt  }
0x49: {  	_ =	shalt  }
0x4a: {  	_ =	shalt  }
0x4b: {  	_ =	shalt  }
0x4c: {  	_ =	shalt  }
0x4d: {  	_ =	shalt  }
0x4e: {  	_ =	shalt  }
0x4f: {  	_ =	shalt  }
0x50: {  	_ =	shalt  }
0x51: {  	_ =	shalt  }
0x52: {  	_ =	shalt  }
0x53: {  	_ =	shalt  }
0x54: {  	_ =	shalt  }
0x55: {  	_ =	shalt  }
0x56: {  	_ =	shalt  }
0x57: {  	_ =	shalt  }
0x58: {  	_ =	shalt  }
0x59: {  	_ =	shalt  }
0x5a: {  	_ =	shalt  }
0x5b: {  	_ =	shalt  }
0x5c: {  	_ =	shalt  }
0x5d: {  	_ =	shalt  }
0x5e: {  	_ =	shalt  }
0x5f: {  	_ =	shalt  }
0x60: {  	_ =	shalt  }
0x61: {  	_ =	shalt  }
0x62: {  	_ =	shalt  }
0x63: {  	_ =	shalt  }
0x64: {  	_ =	shalt  }
0x65: {  	_ =	shalt  }
0x66: {  	_ =	shalt  }
0x67: {  	_ =	shalt  }
0x68: {  	_ =	shalt  }
0x69: {  	_ =	shalt  }
0x6a: {  	_ =	shalt  }
0x6b: {  	_ =	shalt  }
0x6c: {  	_ =	shalt  }
0x6d: {  	_ =	shalt  }
0x6e: {  	_ =	shalt  }
0x6f: {  	_ =	shalt  }
0x70: {  	_ =	shalt  }
0x71: {  	_ =	shalt  }
0x72: {  	_ =	shalt  }
0x73: {  	_ =	shalt  }
0x74: {  	_ =	shalt  }
0x75: {  	_ =	shalt  }
0x76: {  	_ =	shalt  }
0x77: {  	_ =	shalt  }
0x78: {  	_ =	shalt  }
0x79: {  	_ =	shalt  }
0x7a: {  	_ =	shalt  }
0x7b: {  	_ =	shalt  }
0x7c: {  	_ =	shalt  }
0x7d: {  	_ =	shalt  }
0x7e: {  	_ =	shalt  }
0x7f: {  	_ =	shalt  }
0x80: {  	_ =	shalt  }
0x81: {  	_ =	shalt  }
0x82: {  	_ =	shalt  }
0x83: {  	_ =	shalt  }
0x84: {  	_ =	shalt  }
0x85: {  	_ =	shalt  }
0x86: {  	_ =	shalt  }
0x87: {  	_ =	shalt  }
.Lfunc_end0:
.L_simem_size_0:
called_computation_lowered:
.L_overlay_start_0:
0x88: {  	s2 =	sld [smem:$0x3FD9]  }
0x89: {  	s3 =	sld [smem:$0x3FFE];
	_ =	sdelay $0x1  }
0x8a: {  	s1 =	srdreg.scid  }
0x8b: {  	s0 =	sand.u32 $0x1, s1  }
0x8c: {  	s17 =	sshll.u32 s0, $0xA;
	s2 =	sadd.s32 s3, s2  }
0x8d: {  	s2 =	sadd.s32 s2, s17  }
0x8e: {  	[smem:$0x3FC4] =	sst s2  }
0x8f: {  	_ = 	snop  }
0x90: {  	s2 =	sld [smem:$0x3FC9]  }
0x91: {  	s18 =	sld [smem:$0x3FC8]  }
0x92: {  	s4 =	sld [smem:$0x3FD0];
	(tm) =	ssettm $0x1  }
0x93: {  	s5 =	sld [smem:$0x3FFB];
	_ =	sdelay $0x3  }
0x94: {  	_ =	strace s5  }
0x95: {  	s5 =	sld [smem:$0x3FFC];
	_ =	sdelay $0x3  }
0x96: {  	_ =	strace s5  }
0x97: {  	s5 =	sld [smem:$0x3FFD];
	_ =	sdelay $0x3  }
0x98: {  	_ =	strace s5  }
0x99: {  	_ =	strace $0x8FFFFFFF  }
0x9a: {  	s19 =	sld [smem:$0x3FDB];
	_ =	sdelay $0x1  }
0x9b: {  	s6 =	simm.s32 $_scs_section_size  }
0x9c: {  	s7 =	simm.s32 $_size__tile_overlayer_lowered;
	s8 =	simm.s32 $_tile_overlayer_lowered  }
0x9d: {  	s22 =	simm.s32 $0x1BFF;
	s21 =	sshll.u32 s8, $0x1;
	s5 =	sadd.s32 s6, s19  }
0x9e: {  	s9 =	simm.s32 $0x0;
	s20 =	sshll.u32 s7, $0x1;
	s7 =	sadd.s32 s21, s5  }
0x9f: {  	[timem:s9], [sflag:s22] =	dma.local [hbm:s7], s20  }
0xa0: {  	_ =	swait.ge [sflag:s22], s20  }
0xa1: {  	s6 =	ssub.s32 $0x0, s20;
	[sflag:s22] =	ssyncset.done $0x0  }
0xa2: {  	[sflag:s22] =	ssyncadd.s32 s6;
	_ =	sdelay $0x1  }
0xa3: {  	s23 =	simm.s32 $0x1B8B  }
0xa4: {  	_ =	swait.ge [sflag:s23], $0x1  }
0xa5: {  	[sflag:s23] =	ssyncset.done $0x0  }
0xa6: {  	s25 =	simm.s32 $0x1B8E;
	s24 =	sld [smem:$0x3FFE];
	[sflag:s23] =	ssyncadd.s32 $0xFFFFFFFF  }
0xa7: {  	s26 =	simm.s32 $execute0_lowered;
	[smem:$0x3FD2] =	sst s25  }
0xa8: {  	s7 =	sshll.u32 s26, $0x1;
	_ =	strace $0x80000046;
	[dreg:$0x1] =	wrdreg $0xFFFFFFFF  }
0xa9: {  	s28 =	simm.s32 $_size_execute0_lowered;
	s5 =	sadd.s32 s5, s7;
	[dreg:$0x0] =	wrdreg $0x0  }
0xaa: {  	s7 =	sshll.u32 s28, $0x1;
	[dreg:$0x2] =	wrdreg s5  }
0xab: {  	[dreg:$0x3] =	wrdreg s7  }
0xac: {  	[dreg:$0x4] =	wrdreg $0xC0  }
0xad: {  	_ =	task [dreg:s9], $0x5FFFF  }
0xae: {  	[dreg:$0x1] =	wrdreg $0xFFFFFFFF  }
0xaf: {  	[dreg:$0x0] =	wrdreg $0x60  }
0xb0: {  	[dreg:$0x2] =	wrdreg s2  }
0xb1: {  	[dreg:$0x3] =	wrdreg s18  }
0xb2: {  	[dreg:$0x4] =	wrdreg s4  }
0xb3: {  	[dreg:$0x5] =	wrdreg s24  }
0xb4: {  	[dreg:$0x6] =	wrdreg $0xC4000  }
0xb5: {  	[dreg:$0x7] =	wrdreg $0x9  }
0xb6: {  	_ =	task.clear_ibuf [dreg:s9], $0x8FFFF;
	_ =	strace $0x90000046  }
0xb7: {  	s29 =	simm.s32 $0x9;
	_ =	strace $0x80000048  }
0xb8: {  	_ =	swait.ge [sflag:s29], $0x1  }
0xb9: {  	[sflag:s29] =	ssyncadd.s32 $0xFFFFFFFF  }
0xba: {  	_ =	strace $0x90000048  }
0xbb: {  	_ =	sfence  }
0xbc: {  	s30 =	sld [smem:$0x0];
	_ =	sdelay $0x2  }
0xbd: {  	s31 =	sshll.u32 s1, $0xD;
	s1 =	sshrl.u32 s1, $0x2  }
0xbe: {  	s3 =	sand.u32 $0x4000, s31;
	s1 =	sadd.s32 s1, s30  }
0xbf: {  	s0 =	sor.u32 s3, s0;
	s1 =	sshll.u32 s1, $0x11  }
0xc0: {  	s0 =	sor.u32 s1, s0  }
0xc1: {  	s0 =	sadd.s32 $0x8F2B, s0  }
0xc2: {  	[sflag:s0] =	ssyncadd.remote.s32 $0x1  }
0xc3: {  	_ =	sfence.sel $0xFFFF  }
0xc4: {  	[dreg:$0x0] =	wrdreg $0xFFFFFFFF;
	(pc) =	sbr.abs _section_cstart, $3  }
0xc5: {  	[dreg:$0x1] =	wrdreg $0xFFFFFFFF  }
0xc6: {  	_ =	task.clear_ibuf [dreg:s9], $0x2FFFF;
	_ =	strace $0x9FFFFFFF  }
0xc7: {  	(tm) =	ssettm $0x7FFFFFFF  }
tec
execute0_lowered:
.L_overlay_start_1:
0x0: {  	(tag) =	ssettag $0x1  }
0x1: {  	s0 =	rddreg [dreg:$0x0]  }
0x2: {  	s2 =	rddreg [dreg:$0x1]  }
0x3: {  	s1 =	rddreg [dreg:$0x2]  }
0x4: {  	s3 =	srdreg.scid;
	s5 =	stileid.u32  }
0x5: {  	s6 =	rddreg [dreg:$0x3];
	s11 =	smul.u32 $0x4E800, s5  }
0x6: {  	s4 =	rddreg [dreg:$0x4];
	s31 =	smul.u32 $0x13C00, s5  }
0x7: {  	s8 =	simm.s32 $0x0;
	s28 =	simm.s32 $0x200;
	s14 =	smul.u32 $0x4F000, s5  }
0x8: {  	s29 =	simm.s32 $0x300;
	s3 =	sand.u32 $0x1, s3;
	s17 =	smul.u32 $0x2800, s5  }
0x9: {  	[smem:$0x7FF] =	sst s8;
	s6 =	sadd.s32 $0xA00, s6;
	s20 =	smul.u32 $0x5000, s5  }
0xa: {  	p0 =	seq.s32 s5, $0xF;
	s7 =	sshll.u32 s3, $0x4;
	s30 =	smul.u32 $0x138800, s3  }
0xb: {  	_ =	strace $0x80000047;
	s9 =	ssub.s32 $0x2, s3;
	s16 =	smul.u32 $0x28000, s3  }
0xc: {  	s3 =	smul.u32 $0x50000, s3;
	s7 =	sor.u32 s5, s7;
	s10 =	sshrl.u32 s9, $0x1  }
0xd: {  	s26 =	sshrl.u32 s11, $0x2;
	s18 =	sshrl.u32 s14, $0x2;
	s23 =	smul.u32 $0x2800, s7  }
0xe: {  	s14 =	simm.s32 $0x8;
	s7 =	smul.u32 $0xA00, s7;
	s12 =	sadd.s32 s26, s4  }
0xf: {  	s9 =	ssub.s32 s9, s10;
	s11 =	sadd.s32 $0x4000, s12;
	[dreg:$0xa] =	wrdreg s12  }
0x10: {  	s19 =	sshrl.u32 s30, $0x3;
	s13 =	sadd.s32 $0x8000, s12;
	[dreg:$0xb] =	wrdreg s11  }
0x11: {  	s15 =	sadd.s32 $0xC000, s12;
	s12 =	sadd.s32 $0x10000, s12;
	[dreg:$0xc] =	wrdreg s13  }
0x12: {  	s8 =	sshrl.u32 s23, $0x2;
	s7 =	sadd.s32 s2, s7;
	[dreg:$0xd] =	wrdreg s15  }
0x13: {  	[dreg:$0xe] =	wrdreg s12;
	s11 =	sadd.s32 s17, s16;
	s12 =	simm.s32 $0x6  }
0x14: {  	s13 =	simm.s32 $0x180;
	s15 =	simm.s32 $0x4;
	s17 =	simm.s32 $0x280  }
0x15: {  	s8 =	sadd.s32 s8, s2;
	[dreg:$0x6] =	wrdreg s7;
	s21 =	sor.u32 $0x280, s11  }
0x16: {  	s7 =	sadd.s32 s31, s30;
	s31 =	smax.u32 s9, $0x1;
	[dreg:$0x10] =	wrdreg s21  }
0x17: {  	s23 =	sor.u32 $0x200, s11;
	s24 =	sadd.s32 $0x20, s8;
	[dreg:$0x16] =	wrdreg s31  }
0x18: {  	s9 =	simm.s32 $0x5;
	s25 =	sadd.s32 $0x40, s8;
	[dreg:$0x7] =	wrdreg s24  }
0x19: {  	s8 =	sadd.s32 $0x60, s8;
	s7 =	sshrl.u32 s7, $0x3;
	[dreg:$0x8] =	wrdreg s25  }
0x1a: {  	s22 =	sshrl.u32 s21, $0x2;
	[dreg:$0x9] =	wrdreg s8;
	s7 =	sadd.s32 s6, s7  }
0x1b: {  	s6 =	sadd.s32 s6, s19;
	s24 =	sor.u32 $0x100, s11;
	s25 =	sor.u32 $0x180, s11  }
0x1c: {  	s8 =	simm.s32 $0x7;
	s11 =	simm.s32 $0x3;
	s19 =	simm.s32 $0x0  }
0x1d: {  	[dreg:$0xf] =	wrdreg s7;
	s7 =	sadd.s32 s18, s4;
	s6 =	sadd.s32 $0x25080, s6  }
0x1e: {  	s18 =	sadd.s32 s20, s3;
	s3 =	sadd.s32 s22, s2;
	[dreg:$0x11] =	wrdreg s6  }
0x1f: {  	[dreg:$0x12] =	wrdreg s3;
	s3 =	sshrl.u32 s23, $0x2;
	s6 =	sshrl.u32 s24, $0x2  }
0x20: {  	s30 =	sshrl.u32 s25, $0x2;
	s3 =	sadd.s32 s3, s2;
	s26 =	sadd.s32 s6, s2  }
.Ltmp0:
0x21: {  	s2 =	sadd.s32 s30, s2;
	[dreg:$0x13] =	wrdreg s3;
	(pc) =	sbr.rel .LBB2_1-.Ltmp0, $4  }
0x22: {  	s6 =	simm.s32 $0x2;
	[dreg:$0x15] =	wrdreg s2;
	s2 =	sadd.s32 $0x128400, s4  }
0x23: {  	[dreg:$0x14] =	wrdreg s26;
	s26 =	simm.s32 $0x100;
	s2 =	sshrl.u32 @p0 s2, $0x3  }
0x24: {  	s3 =	simm.s32 $0x400;
	[dreg:$0x17] =	wrdreg s2;
	s2 =	sshrl.u32 @!p0 s7, $0x3  }
0x25: {  	v0 =	vimm.f32 $0.0e+00;
	s7 =	simm.s32 $0x4400;
	[dreg:$0x18] =	wrdreg s2;
	s2 =	simm.s32 $0x80  }
.LBB2_8:
0x26: {  	_ =	swait.ge [sflag:s8], $0x4000  }
0x27: {  	[sflag:s8] =	ssyncset.done $0x0  }
0x28: {  	[sflag:s8] =	ssyncadd.s32 $0xFFFFC000  }
0x29: {  	_ =	swait.ge [sflag:s14], $0x4000  }
0x2a: {  	[sflag:s14] =	ssyncset.done $0x0  }
0x2b: {  	[sflag:s14] =	ssyncadd.s32 $0xFFFFC000  }
0x2c: {  	[bflag:$0x0] =	sbarrier.arrive $0xFFFF  }
0x2d: {  	s10 =	rddreg [dreg:$0x11]  }
0x2e: {  	s5 =	simm.s32 @p0 $0x1FC9;
	s16 =	rddreg [dreg:$0x17]  }
0x2f: {  	[hbm:s10], [sflag:s5] =	dma.local @p0 [spmem:s16], $0x2080  }
0x30: {  	s5 =	simm.s32 @p0 $0x9  }
0x31: {  	s10 =	stileid.u32;
	_ =	swait.ge @p0 [sflag:s5], $0x2080  }
0x32: {  	s10 =	sshll.u32 @!p0 s10, $0x6;
	[sflag:s5] =	ssyncset.done @p0 $0x0;
	s16 =	rddreg [dreg:$0x18]  }
0x33: {  	[sflag:s5] =	ssyncadd.s32 @p0 $0xFFFFDF80;
	s5 =	sor.u32 @!p0 $0x1C09, s10;
	s10 =	rddreg [dreg:$0xf]  }
0x34: {  	[hbm:s10], [sflag:s5] =	dma.local @!p0 [spmem:s16], $0x2780  }
0x35: {  	s5 =	simm.s32 @!p0 $0x9  }
0x36: {  	_ =	swait.ge @!p0 [sflag:s5], $0x2780  }
0x37: {  	s19 =	sadd.s32 $0x1, s19;
	s31 =	rddreg [dreg:$0x16]  }
0x38: {  	p1 =	sne.s32 s19, s31  }
.Ltmp1:
0x39: {  	_ = 	snop;
	(pc) =	sbr.rel @!p1 .LBB2_9-.Ltmp1, $3  }
0x3a: {  	_ =	sdelay $0x1  }
0x3b: {  	[sflag:s5] =	ssyncset.done @!p0 $0x0  }
0x3c: {  	[sflag:s5] =	ssyncadd.s32 @!p0 $0xFFFFD880  }
.LBB2_1:
0x3d: {  	s5 =	simm.s32 $0x0;
	s10 =	rddreg [dreg:$0x6]  }
0x3e: {  	[tilespmem:s5], [sflag:$0x1] =	stream.linear.gather [hbm4b:s10+s5], $0x100, $0x38;
	[tilespmem:$0x1FE00] =	vst v63  }
0x3f: {  	s25 =	rddreg [dreg:$0x7]  }
0x40: {  	[tilespmem:s26], [sflag:$0x2] =	stream.linear.gather [hbm4b:s25+s5], $0x100, $0x38;
	[tilespmem:$0x1FE00] =	vst v63  }
0x41: {  	s30 =	rddreg [dreg:$0x8]  }
0x42: {  	[tilespmem:s28], [sflag:$0x3] =	stream.linear.gather [hbm4b:s30+s5], $0x100, $0x38;
	[tilespmem:$0x1FE00] =	vst v63  }
0x43: {  	s31 =	rddreg [dreg:$0x9];
	s16 =	simm.s32 $0x200;
	s10 =	simm.s32 $0x0  }
0x44: {  	[tilespmem:s29], [sflag:$0x4] =	stream.linear.gather [hbm4b:s31+s5], $0x100, $0x38;
	[tilespmem:$0x1FE00] =	vst v63  }
.LBB2_2:
0x45: {  	p1 =	sne.s32 s16, $0xFE00;
	[tilespmem:s10+$0x8470] =	vst v0  }
0x46: {  	[tilespmem:s10+$0x8400] =	vst v0  }
0x47: {  	[tilespmem:s10+$0x8410] =	vst v0  }
.Ltmp2:
0x48: {  	[tilespmem:s10+$0x8420] =	vst v0;
	(pc) =	sbr.rel @p1 .LBB2_2-.Ltmp2, $4  }
0x49: {  	[tilespmem:s10+$0x8430] =	vst v0  }
0x4a: {  	[tilespmem:s10+$0x8440] =	vst v0  }
0x4b: {  	[tilespmem:s10+$0x8450] =	vst v0  }
0x4c: {  	[tilespmem:s10+$0x8460] =	vst v0;
	s10 =	sshra.s32 s16, $0x2;
	s16 =	sadd.s32 $0x200, s16  }
0x4d: {  	[tilespmem:s10+$0x8470] =	vst v0  }
0x4e: {  	[tilespmem:s10+$0x8400] =	vst v0  }
0x4f: {  	[tilespmem:s10+$0x8410] =	vst v0  }
0x50: {  	[tilespmem:s10+$0x8420] =	vst v0  }
0x51: {  	[tilespmem:s10+$0x8430] =	vst v0  }
0x52: {  	[tilespmem:s10+$0x8440] =	vst v0  }
0x53: {  	[tilespmem:s10+$0x8450] =	vst v0  }
0x54: {  	[tilespmem:s10+$0x8460] =	vst v0;
	s5 =	rddreg [dreg:$0xa];
	s22 =	simm.s32 $0x8400  }
0x55: {  	[spmem:s5] =	stream.linear.scatter [tilespmem:s22], [sflag:$0x7], $0x4000, $0x38;
	[tilespmem:$0x1FE00] =	vst v63  }
0x56: {  	s23 =	rddreg [dreg:$0xb]  }
0x57: {  	[spmem:s23] =	stream.linear.scatter [tilespmem:s22], [sflag:$0x7], $0x4000, $0x38;
	[tilespmem:$0x1FE00] =	vst v63  }
0x58: {  	s24 =	rddreg [dreg:$0xc]  }
0x59: {  	[spmem:s24] =	stream.linear.scatter [tilespmem:s22], [sflag:$0x7], $0x4000, $0x38;
	[tilespmem:$0x1FE00] =	vst v63  }
0x5a: {  	s25 =	rddreg [dreg:$0xd]  }
0x5b: {  	[spmem:s25] =	stream.linear.scatter [tilespmem:s22], [sflag:$0x7], $0x4000, $0x38;
	[tilespmem:$0x1FE00] =	vst v63  }
0x5c: {  	s30 =	rddreg [dreg:$0xe];
	s31 =	simm.s32 $0x1  }
0x5d: {  	[spmem:s30] =	stream.linear.scatter [tilespmem:s22], [sflag:$0x7], $0x3A00, $0x38;
	[tilespmem:$0x1FE00] =	vst v63  }
0x5e: {  	_ =	swait.ge [sflag:s31], $0x100  }
0x5f: {  	[sflag:s31] =	ssyncset.done $0x0  }
0x60: {  	s16 =	simm.s32 $0x0;
	[sflag:s31] =	ssyncadd.s32 $0xFFFFFF00  }
0x61: {  	[tilespmem:s3], [sflag:$0x5] =	stream.indirect.gather [hbm4b:s0+s2], $0x80, s16, s2, $0xb8;
	[tilespmem:$0x1FE00] =	vst v63  }
0x62: {  	_ =	swait.ge [sflag:s6], $0x100  }
0x63: {  	[sflag:s6] =	ssyncset.done $0x0  }
0x64: {  	[sflag:s6] =	ssyncadd.s32 $0xFFFFFF00  }
0x65: {  	[tilespmem:s7], [sflag:$0x6] =	stream.indirect.gather [hbm4b:s0+s2], $0x80, s26, s2, $0xb8;
	[tilespmem:$0x1FE00] =	vst v63  }
0x66: {  	_ =	swait.ge [sflag:s8], $0x4000  }
0x67: {  	[sflag:s8] =	ssyncset.done $0x0  }
0x68: {  	[sflag:s8] =	ssyncadd.s32 $0xFFFFC000  }
0x69: {  	_ =	swait.ge [sflag:s8], $0x4000  }
0x6a: {  	[sflag:s8] =	ssyncset.done $0x0  }
0x6b: {  	[sflag:s8] =	ssyncadd.s32 $0xFFFFC000  }
0x6c: {  	_ =	swait.ge [sflag:s8], $0x4000  }
0x6d: {  	[sflag:s8] =	ssyncset.done $0x0  }
0x6e: {  	[sflag:s8] =	ssyncadd.s32 $0xFFFFC000  }
0x6f: {  	_ =	swait.ge [sflag:s8], $0x4000  }
0x70: {  	[sflag:s8] =	ssyncset.done $0x0  }
0x71: {  	[sflag:s8] =	ssyncadd.s32 $0xFFFFC000  }
0x72: {  	_ =	swait.ge [sflag:s8], $0x3A00  }
0x73: {  	[sflag:s8] =	ssyncset.done $0x0  }
0x74: {  	[sflag:s8] =	ssyncadd.s32 $0xFFFFC600  }
0x75: {  	[bflag:$0x0] =	sbarrier.arrive $0xFFFF  }
.Ltmp3:
0x76: {  	s22 =	rddreg [dreg:$0x15];
	(pc) =	sbr.rel .LBB2_4-.Ltmp3, $4  }
0x77: {  	s10 =	rddreg [dreg:$0x14]  }
0x78: {  	s21 =	rddreg [dreg:$0x13]  }
0x79: {  	s23 =	rddreg [dreg:$0x10]  }
0x7a: {  	s20 =	simm.s32 $0xFFFFFFFC;
	s25 =	simm.s32 $0x0;
	s24 =	rddreg [dreg:$0x12]  }
.LBB2_7:
0x7b: {  	_ =	swait.ge [sflag:s9], $0x4000;
	p1 =	sgt.u32 s25, $0x12  }
0x7c: {  	[sflag:s9] =	ssyncset.done $0x0;
	s5 =	sadd.s32 @!p1 s16, s18;
	s30 =	sadd.s32 @!p1 $0xFFFFFF80, s23  }
0x7d: {  	[sflag:s9] =	ssyncadd.s32 $0xFFFFC000;
	s31 =	sadd.s32 @!p1 $0xFFF64000, s5;
	p2 =	slt.u32 @!p1 s30, $0x4E200  }
0x7e: {  	[spmem:s4] =	stream.indirect.scatter.add.f32 [tilespmem:s3], [sflag:$0x7], $0x80, s2, s2, $0xb8;
	[tilespmem:$0x1FE00] =	vst v63  }
0x7f: {  	s30 =	sshrl.u32 @!p1 s31, $0x3;
	p2 =	por !p2, p1;
	_ =	swait.ge [sflag:s8], $0x4000  }
0x80: {  	s31 =	smov.u32 s21;
	s30 =	sadd.s32 @!p1 s1, s30;
	[sflag:s8] =	ssyncset.done $0x0  }
0x81: {  	s31 =	smov.u32 @p2 s30;
	s30 =	simm.s32 @!p1 $0x0;
	[sflag:s8] =	ssyncadd.s32 $0xFFFFC000  }
0x82: {  	[tilespmem:s30], [sflag:$0x1] =	stream.linear.gather @!p1 [hbm4b:s31+s30], $0x100, $0x38;
	[tilespmem:$0x1FE00] =	vst v63  }
0x83: {  	_ =	swait.ge [sflag:s11], $0x100  }
0x84: {  	[sflag:s11] =	ssyncset.done $0x0  }
0x85: {  	[sflag:s11] =	ssyncadd.s32 $0xFFFFFF00  }
0x86: {  	[tilespmem:s3], [sflag:$0x5] =	stream.indirect.gather [hbm4b:s0+s2], $0x80, s28, s2, $0xb8;
	[tilespmem:$0x1FE00] =	vst v63  }
0x87: {  	_ =	swait.ge [sflag:s12], $0x4000  }
0x88: {  	s5 =	sadd.s32 @!p1 $0xFFF64100, s5;
	[sflag:s12] =	ssyncset.done $0x0  }
0x89: {  	s5 =	sshrl.u32 @!p1 s5, $0x3;
	[sflag:s12] =	ssyncadd.s32 $0xFFFFC000  }
0x8a: {  	[spmem:s4] =	stream.indirect.scatter.add.f32 [tilespmem:s7], [sflag:$0x8], $0x80, s13, s2, $0xb8;
	[tilespmem:$0x1FE00] =	vst v63  }
0x8b: {  	s5 =	sadd.s32 @!p1 s1, s5;
	p2 =	slt.u32 @!p1 s23, $0x4E200;
	_ =	swait.ge [sflag:s14], $0x4000  }
0x8c: {  	p2 =	por !p2, p1;
	s31 =	smov.u32 s24;
	[sflag:s14] =	ssyncset.done $0x0  }
0x8d: {  	s31 =	smov.u32 @p2 s5;
	s5 =	simm.s32 @!p1 $0x100;
	[sflag:s14] =	ssyncadd.s32 $0xFFFFC000  }
0x8e: {  	[tilespmem:s5], [sflag:$0x2] =	stream.linear.gather @!p1 [hbm4b:s31+s30], $0x100, $0x38;
	[tilespmem:$0x1FE00] =	vst v63  }
0x8f: {  	_ =	swait.ge [sflag:s15], $0x100  }
0x90: {  	s16 =	sadd.s32 $0x400, s16;
	[sflag:s15] =	ssyncset.done $0x0  }
0x91: {  	p1 =	sne.s32 s16, $0x5400;
	[sflag:s15] =	ssyncadd.s32 $0xFFFFFF00  }
0x92: {  	[tilespmem:s7], [sflag:$0x6] =	stream.indirect.gather [hbm4b:s0+s2], $0x80, s29, s2, $0xb8;
	[tilespmem:$0x1FE00] =	vst v63  }
.Ltmp4:
0x93: {  	s25 =	sadd.s32 $0x1, s25;
	(pc) =	sbr.rel @!p1 .LBB2_8-.Ltmp4, $4  }
0x94: {  	s20 =	sadd.s32 $0x4, s20;
	s10 =	sadd.s32 $0x80, s10;
	_ =	swait.ge [sflag:s9], $0x4000  }
0x95: {  	s22 =	sadd.s32 $0x80, s22;
	s21 =	sadd.s32 $0x80, s21;
	[sflag:s9] =	ssyncset.done $0x0  }
0x96: {  	s23 =	sadd.s32 $0x200, s23;
	s24 =	sadd.s32 $0x80, s24;
	[sflag:s9] =	ssyncadd.s32 $0xFFFFC000  }
0x97: {  	[spmem:s4] =	stream.indirect.scatter.add.f32 [tilespmem:s3], [sflag:$0x7], $0x80, s17, s2, $0xb8;
	[tilespmem:$0x1FE00] =	vst v63  }
.LBB2_4:
0x98: {  	p1 =	seq.s32 s25, $0x0  }
0x99: {  	s31 =	sadd.s32 $0x2, s20;
	p4 =	seq.s32 @!p1 s25, $0x14  }
0x9a: {  	p2 =	sgt.u32 s31, $0x4D;
	p3 =	por p4, p1  }
0x9b: {  	s31 =	simm.s32 @!p2 $0x7;
	s5 =	sadd.s32 @!p3 $0xFFFFFE80, s23;
	s30 =	sadd.s32 @!p3 s16, s18  }
0x9c: {  	_ =	swait.ge @!p2 [sflag:s31], $0x4000;
	p5 =	slt.u32 @!p3 s5, $0x4E200;
	s5 =	sadd.s32 @!p3 $0xFFF63E00, s30  }
0x9d: {  	[sflag:s31] =	ssyncset.done @!p2 $0x0;
	s5 =	sshrl.u32 @!p3 s5, $0x3;
	p4 =	por @!p1 !p5, p4  }
0x9e: {  	s30 =	simm.s32 @!p3 $0x0;
	s5 =	sadd.s32 @!p3 s1, s5;
	p4 =	por !p4, p1  }
0x9f: {  	[sflag:s31] =	ssyncadd.s32 @!p2 $0xFFFFC000;
	s31 =	simm.s32 @!p3 $0x200;
	s5 =	smov.u32 @p4 s10  }
0xa0: {  	[tilespmem:s31], [sflag:$0x3] =	stream.linear.gather @!p3 [hbm4b:s5+s30], $0x100, $0x38;
	[tilespmem:$0x1FE00] =	vst v63  }
0xa1: {  	s5 =	simm.s32 @!p2 $0x1  }
0xa2: {  	_ =	swait.ge @!p2 [sflag:s5], $0x100  }
0xa3: {  	s30 =	simm.s32 @!p2 $0x0;
	[sflag:s5] =	ssyncset.done @!p2 $0x0  }
0xa4: {  	s31 =	simm.s32 @!p2 $0x400;
	[sflag:s5] =	ssyncadd.s32 @!p2 $0xFFFFFF00;
	s5 =	simm.s32 @!p2 $0x80  }
0xa5: {  	[tilespmem:s31], [sflag:$0x5] =	stream.indirect.gather @!p2 [hbm4b:s0+s5], $0x80, s30, s5, $0xb8;
	[tilespmem:$0x1FE00] =	vst v63  }
0xa6: {  	p2 =	sgt.u32 s20, $0x4F  }
.Ltmp5:
0xa7: {  	s5 =	simm.s32 @!p2 $0x6;
	(pc) =	sbr.rel @p1 .LBB2_7-.Ltmp5, $4  }
0xa8: {  	_ =	swait.ge @!p2 [sflag:s5], $0x4000  }
0xa9: {  	s30 =	simm.s32 @!p2 $0x380;
	[sflag:s5] =	ssyncset.done @!p2 $0x0  }
0xaa: {  	s31 =	simm.s32 @!p2 $0x4400;
	[sflag:s5] =	ssyncadd.s32 @!p2 $0xFFFFC000;
	s5 =	simm.s32 @!p2 $0x80  }
0xab: {  	[spmem:s4] =	stream.indirect.scatter.add.f32 @!p2 [tilespmem:s31], [sflag:$0x8], $0x80, s30, s5, $0xb8;
	[tilespmem:$0x1FE00] =	vst v63  }
0xac: {  	p1 =	seq.s32 s25, $0x14  }
0xad: {  	s5 =	sadd.s32 @!p1 s16, s18  }
0xae: {  	s30 =	simm.s32 @!p1 $0x8;
	s31 =	sadd.s32 @!p1 $0xFFFFFF00, s23;
	s5 =	sadd.s32 @!p1 $0xFFF63F00, s5  }
0xaf: {  	_ =	swait.ge @!p1 [sflag:s30], $0x4000;
	p2 =	slt.u32 @!p1 s31, $0x4E200;
	s31 =	smov.u32 s22  }
0xb0: {  	s5 =	sshrl.u32 @!p1 s5, $0x3;
	[sflag:s30] =	ssyncset.done @!p1 $0x0;
	p2 =	por !p2, p1  }
0xb1: {  	s5 =	sadd.s32 @!p1 s1, s5;
	[sflag:s30] =	ssyncadd.s32 @!p1 $0xFFFFC000;
	s30 =	simm.s32 @!p1 $0x300  }
0xb2: {  	s31 =	smov.u32 @p2 s5;
	p2 =	seq.s32 @!p1 s16, $0x5000;
	s5 =	simm.s32 @!p1 $0x0  }
0xb3: {  	[tilespmem:s30], [sflag:$0x4] =	stream.linear.gather @!p1 [hbm4b:s31+s5], $0x100, $0x38;
	[tilespmem:$0x1FE00] =	vst v63  }
0xb4: {  	p1 =	por p1, p2  }
.Ltmp6:
0xb5: {  	_ = 	snop;
	(pc) =	sbr.rel @p1 .LBB2_8-.Ltmp6, $1  }
0xb6: {  	_ =	sdelay $0x3  }
.Ltmp7:
0xb7: {  	(pc) =	sbr.rel .LBB2_7-.Ltmp7, $4  }
0xb8: {  	_ =	swait.ge [sflag:s6], $0x100  }
0xb9: {  	[sflag:s6] =	ssyncset.done $0x0  }
0xba: {  	[sflag:s6] =	ssyncadd.s32 $0xFFFFFF00  }
0xbb: {  	[tilespmem:s7], [sflag:$0x6] =	stream.indirect.gather [hbm4b:s0+s2], $0x80, s26, s2, $0xb8;
	[tilespmem:$0x1FE00] =	vst v63  }
.LBB2_9:
0xbc: {  	_ =	sfence.sel $0x180000  }
0xbd: {  	[bflag:$0x0] =	sbarrier.arrive $0xFFFF  }
0xbe: {  	_ =	strace $0x90000047  }
0xbf: {  	s0 =	stileid.u32;
	[bflag:$0x2] =	sbarrier.arrive $0xFFFF  }
0xc0: {  	p0 =	sne.s32 s0, $0x0;
	s0 =	rddreg [dreg:$0x5]  }
0xc1: {  	s0 =	sadd.s32 @!p0 $0x100000, s0  }
0xc2: {  	[sflag:s0] =	ssyncadd.tile.s32 @!p0 $0x1;
	_ =	shalt  }
.Lfunc_end2:
_tile_overlayer_lowered:
.L_overlay_start_2:
0xc3: {  	(tag) =	ssettag $0x2  }
0xc4: {  	s0 =	rddreg [dreg:$0x0];
	s2 =	stileid.u32  }
0xc5: {  	s1 =	rddreg [dreg:$0x1];
	p0 =	sne.s32 s2, $0x0  }
0xc6: {  	s3 =	rddreg [dreg:$0x2];
	[bflag:$0x3] =	sbarrier.arrive $0xFFFF;
	s2 =	simm.s32 @!p0 $0x1C09  }
0xc7: {  	[timem:s3], [sflag:s2] =	dma.local @!p0 [hbm:s0], s1  }
0xc8: {  	s0 =	simm.s32 @!p0 $0x9  }
0xc9: {  	_ =	swait.ge @!p0 [sflag:s0], s1  }
0xca: {  	s1 =	ssub.s32 @!p0 $0x0, s1;
	[sflag:s0] =	ssyncset.done @!p0 $0x0  }
0xcb: {  	[sflag:s0] =	ssyncadd.s32 @!p0 s1  }
0xcc: {  	[bflag:$0x3] =	sbarrier.arrive $0xFFFF  }
0xcd: {  	_ =	shalt  }

</sc_bundles>
